<compile_context>
chip_gen: v7x
topology: tpu7x:2x2x1
jax: 0.10.2.dev20260603
libtpu: 0.0.44.dev20260713+nightly
codegen_flags: <defaults>
</compile_context>

<pallas_src>
import jax
import jax.numpy as jnp
from jax import lax
from jax.experimental import pallas as pl
from jax.experimental.pallas import tpu as pltpu
from jax.experimental.pallas import tpu_sc as plsc

_N = 10000
_E = 320000
_D = 128
_G = 64
_NC = 2
_NS = 16
_NW = _NC * _NS
_CHUNK = 125
_CHUNKS = 80
_HALF = _CHUNKS // 2
_EPT = _CHUNKS * _CHUNK
_ACC_N = 10112
_RPT = _ACC_N // _NS
_ZB = 120

_ROWB = 1000
_NBLK = _N // _ROWB
_MROWB = 2000
_MNBLK = _N // _MROWB


def _agg_body(h_hbm, eidx_hbm, out_hbm,
              src_v, dst_v, rows_a, rows_b, acc_sh, sem_a, sem_b):
    c = lax.axis_index("c")
    s = lax.axis_index("s")
    wid = s * _NC + c

    zeros16 = jnp.zeros((16,), jnp.float32)

    def _zrow(i, carry):
        for k in range(_D // 16):
            rows_a[i, pl.ds(k * 16, 16)] = zeros16
        return carry

    lax.fori_loop(0, _ZB, _zrow, 0)
    base = s * _RPT
    for k in range(_RPT // _ZB):
        pltpu.sync_copy(rows_a.at[pl.ds(0, _ZB)],
                        acc_sh.at[pl.ds(base + k * _ZB, _ZB)])
    rem = _RPT % _ZB
    if rem:
        pltpu.sync_copy(rows_a.at[pl.ds(0, rem)],
                        acc_sh.at[pl.ds(base + (_RPT // _ZB) * _ZB, rem)])
    plsc.subcore_barrier()

    for half in range(2):
        pltpu.sync_copy(eidx_hbm.at[0, wid, pl.ds(half * _HALF, _HALF)], src_v)
        pltpu.sync_copy(eidx_hbm.at[1, wid, pl.ds(half * _HALF, _HALF)], dst_v)
        pltpu.async_copy(h_hbm.at[src_v.at[0]], rows_a, sem_a)

        def _pair(jj, carry):
            j0 = 2 * jj
            pltpu.async_copy(h_hbm.at[src_v.at[j0 + 1]], rows_b, sem_b)
            pltpu.make_async_copy(h_hbm.at[src_v.at[j0]], rows_a, sem_a).wait()
            pltpu.sync_copy(rows_a, acc_sh.at[dst_v.at[j0]], add=True)

            @pl.when(jj < _HALF // 2 - 1)
            def _():
                pltpu.async_copy(h_hbm.at[src_v.at[j0 + 2]], rows_a, sem_a)

            pltpu.make_async_copy(h_hbm.at[src_v.at[j0 + 1]], rows_b, sem_b).wait()
            pltpu.sync_copy(rows_b, acc_sh.at[dst_v.at[j0 + 1]], add=True)
            return carry

        lax.fori_loop(0, _HALF // 2, _pair, 0)
    plsc.subcore_barrier()

    pltpu.sync_copy(acc_sh.at[pl.ds(base, _RPT)],
                    out_hbm.at[c, pl.ds(base, _RPT)])


@jax.jit
def _sc_aggregate(h, eidx):
    mesh = plsc.VectorSubcoreMesh(core_axis_name="c", subcore_axis_name="s")
    run = pl.kernel(
        _agg_body,
        out_type=jax.ShapeDtypeStruct((_NC, _ACC_N, _D), jnp.float32),
        mesh=mesh,
        scratch_types=[
            pltpu.VMEM((_HALF, _CHUNK), jnp.int32),
            pltpu.VMEM((_HALF, _CHUNK), jnp.int32),
            pltpu.VMEM((_CHUNK, _D), jnp.float32),
            pltpu.VMEM((_CHUNK, _D), jnp.float32),
            pltpu.VMEM_SHARED((_ACC_N, _D), jnp.float32),
            pltpu.SemaphoreType.DMA,
            pltpu.SemaphoreType.DMA,
        ],
    )
    return run(h, eidx)


def _mlp_body(x_ref, a0_ref, a1_ref, w1_ref, b1_ref, w2_ref, b2_ref, o_ref):
    t = x_ref[...] + a0_ref[0] + a1_ref[0]
    u = jnp.dot(t, w1_ref[...], preferred_element_type=jnp.float32) + b1_ref[...]
    u = jnp.where(u > 0, u, jnp.exp(jnp.minimum(u, 0.0)) - 1.0)
    o_ref[...] = jnp.dot(u, w2_ref[...], preferred_element_type=jnp.float32) + b2_ref[...]


def _tc_mlp(x, acc, w1, b1, w2, b2):
    full = lambda shape: pl.BlockSpec(shape, lambda i: (0, 0))
    rowb = pl.BlockSpec((_MROWB, _D), lambda i: (i, 0))
    accb = lambda c: pl.BlockSpec((1, _MROWB, _D), lambda i, c=c: (c, i, 0))
    return pl.pallas_call(
        _mlp_body,
        grid=(_MNBLK,),
        in_specs=[rowb, accb(0), accb(1),
                  full(w1.shape), full((1, _D)), full(w2.shape), full((1, _D))],
        out_specs=rowb,
        out_shape=jax.ShapeDtypeStruct((_N, _D), jnp.float32),
    )(x, acc, acc, w1, b1.reshape(1, _D), w2, b2.reshape(1, _D))


def _readout_body(h_ref, b_ref, wp1_ref, bp1_ref, wp2_ref, bp2_ref, o_ref,
                  sum_s, max_s):
    i = pl.program_id(0)

    @pl.when(i == 0)
    def _():
        sum_s[...] = jnp.zeros_like(sum_s)
        max_s[...] = jnp.full_like(max_s, -jnp.inf)

    h = h_ref[...]
    b = b_ref[0]
    gid = lax.broadcasted_iota(jnp.int32, (_ROWB, _G), 1)
    oh = (b == gid).astype(jnp.float32)
    sum_s[...] += lax.dot_general(oh, h, (((0,), (0,)), ((), ())),
                                  preferred_element_type=jnp.float32)

    g0 = jnp.min(b)
    nloc = jnp.max(b) - g0 + 1

    def _one_group(l, carry):
        g = g0 + l
        mg = jnp.max(jnp.where(b == g, h, -jnp.inf), axis=0, keepdims=True)
        max_s[pl.ds(g, 1), :] = jnp.maximum(max_s[pl.ds(g, 1), :], mg)
        return carry

    lax.fori_loop(0, nloc, _one_group, 0)

    @pl.when(i == _NBLK - 1)
    def _():
        r = jnp.concatenate([sum_s[...], max_s[...]], axis=1)
        u = jnp.dot(r, wp1_ref[...], preferred_element_type=jnp.float32) \
            + bp1_ref[...]
        u = jnp.where(u > 0, u, jnp.exp(jnp.minimum(u, 0.0)) - 1.0)
        o_ref[...] = jnp.dot(u, wp2_ref[...],
                             preferred_element_type=jnp.float32) + bp2_ref[...]


def _tc_readout(h, batch3, wp1, bp1, wp2, bp2):
    full = lambda shape: pl.BlockSpec(shape, lambda i: tuple(0 for _ in shape))
    return pl.pallas_call(
        _readout_body,
        grid=(_NBLK,),
        in_specs=[
            pl.BlockSpec((_ROWB, _D), lambda i: (i, 0)),
            pl.BlockSpec((1, _ROWB, 1), lambda i: (i, 0, 0)),
            full(wp1.shape), full((1, 128)), full(wp2.shape), full((1, 1)),
        ],
        out_specs=full((_G, 1)),
        out_shape=jax.ShapeDtypeStruct((_G, 1), jnp.float32),
        scratch_shapes=[
            pltpu.VMEM((_G, _D), jnp.float32),
            pltpu.VMEM((_G, _D), jnp.float32),
        ],
    )(h, batch3, wp1, bp1.reshape(1, 128), wp2, bp2.reshape(1, 1))


def kernel(x, edge_index, batch,
           W1_0, b1_0, W2_0, b2_0,
           W1_1, b1_1, W2_1, b2_1,
           W1_2, b1_2, W2_2, b2_2,
           Wp1, bp1, Wp2, bp2):
    eidx = edge_index.reshape(2, _NW, _CHUNKS, _CHUNK)
    batch3 = batch.reshape(_NBLK, _ROWB, 1)

    h = x
    for (w1, b1, w2, b2) in ((W1_0, b1_0, W2_0, b2_0),
                             (W1_1, b1_1, W2_1, b2_1),
                             (W1_2, b1_2, W2_2, b2_2)):
        acc = _sc_aggregate(h, eidx)
        h = _tc_mlp(h, acc, w1, b1, w2, b2)

    return _tc_readout(h, batch3, Wp1, bp1, Wp2, bp2)

# --- scband reference (transcript-rebuilt; emitter-appended) ---
"""Pipeline reference for scband-gin-32487132627352 (READ-ONLY COPY).

The authoritative reference and input builder live on the scoring server;
editing this copy changes nothing except your own understanding.
"""

import jax, jax.numpy as jnp
import numpy as np

N = 10000
E = 320000
D = 128
H = 128
G = 64
OUT = 1

def _mlp(x, W1, b1, W2, b2):
    h = jax.nn.elu(x @ W1 + b1)
    return h @ W2 + b2

def _gin_layer(x, edge_index, W1, b1, W2, b2, eps=0.0):
    src = edge_index[0]
    dst = edge_index[1]
    agg = jax.ops.segment_sum(x[src], dst, num_segments=x.shape[0])
    return _mlp((1.0 + eps) * x + agg, W1, b1, W2, b2)

def _readout(x, batch):
    s = jax.ops.segment_sum(x, batch, num_segments=G)
    m = jax.ops.segment_max(x, batch, num_segments=G)
    return jnp.concatenate([s, m], axis=-1)

def setup_inputs(seed: int = 0):
    key = jax.random.key(seed)
    ks = jax.random.split(key, 12)
    inp = {}
    inp['x'] = jax.random.normal(ks[0], (N, D), dtype=jnp.float32)
    inp['edge_index'] = jax.random.randint(ks[1], (2, E), 0, N, dtype=jnp.int32)
    inp['batch'] = jnp.sort(jax.random.randint(ks[2], (N,), 0, G, dtype=jnp.int32))
    for i in range(3):
        din = D if i == 0 else H
        kk = jax.random.split(ks[3 + i], 2)
        inp['W1_%d' % i] = jax.random.normal(kk[0], (din, H), dtype=jnp.float32) * (1.0 / np.sqrt(din))
        inp['b1_%d' % i] = jnp.zeros((H,), dtype=jnp.float32)
        inp['W2_%d' % i] = jax.random.normal(kk[1], (H, H), dtype=jnp.float32) * (1.0 / np.sqrt(H))
        inp['b2_%d' % i] = jnp.zeros((H,), dtype=jnp.float32)
    inp['Wp1'] = jax.random.normal(ks[6], (2 * H, 128), dtype=jnp.float32) * (1.0 / np.sqrt(2 * H))
    inp['bp1'] = jnp.zeros((128,), dtype=jnp.float32)
    inp['Wp2'] = jax.random.normal(ks[7], (128, OUT), dtype=jnp.float32) * (1.0 / np.sqrt(128))
    inp['bp2'] = jnp.zeros((OUT,), dtype=jnp.float32)
    return inp

def reference(x, edge_index, batch, W1_0, b1_0, W2_0, b2_0, W1_1, b1_1, W2_1, b2_1, W1_2, b1_2, W2_2, b2_2, Wp1, bp1, Wp2, bp2):
    layers = [(W1_0, b1_0, W2_0, b2_0), (W1_1, b1_1, W2_1, b2_1), (W1_2, b1_2, W2_2, b2_2)]
    h = x
    for (W1, b1, W2, b2) in layers:
        h = _gin_layer(h, edge_index, W1, b1, W2, b2)
    r = _readout(h, batch)
    return _mlp(r, Wp1, bp1, Wp2, bp2)

if __name__ == "__main__":
    import jax
    _d = setup_inputs()
    print(jax.jit(kernel)(*tuple(_d.values())))

</pallas_src>

<mosaic_0001>
#map = affine_map<(d0, d1) -> (0, 0)>
#map1 = affine_map<(d0, d1) -> (0, 0, 0, 0)>
#map2 = affine_map<(d0, d1) -> (0, 0, 0)>
module attributes {stable_mosaic.version = 14 : i64} {
  func.func @_agg_body(%arg0: i32, %arg1: i32, %arg2: memref<10000x128xf32, #tpu.memory_space<hbm>>, %arg3: memref<2x32x80x125xi32, #tpu.memory_space<hbm>>, %arg4: memref<2x10112x128xf32, #tpu.memory_space<hbm>>, %arg5: memref<40x125xi32, #tpu.memory_space<vmem>>, %arg6: memref<40x125xi32, #tpu.memory_space<vmem>>, %arg7: memref<125x128xf32, #tpu.memory_space<vmem>>, %arg8: memref<125x128xf32, #tpu.memory_space<vmem>>, %arg9: memref<10112x128xf32, #tpu.memory_space<vmem_shared>>, %arg10: memref<!tpu.dma_semaphore, #tpu.memory_space<semaphore_mem>>, %arg11: memref<!tpu.dma_semaphore, #tpu.memory_space<semaphore_mem>>) attributes {dimension_semantics = [#tpu.dimension_semantics<core_parallel>, #tpu.dimension_semantics<subcore_parallel>], iteration_bounds = array<i64: 2, 16>, scalar_prefetch = 0 : i64, scratch_operands = 7 : i64, tpu.core_type = #tpu.core_type<sc_vector_subcore>, window_params = [{transform_indices = #map}, {transform_indices = #map1}, {transform_indices = #map2}]} {
    %mul3A = arith.constant 2 : i32
    %mul3A_0 = arith.muli %arg1, %mul3A : i32
    %add3A = arith.addi %mul3A_0, %arg0 : i32
    %broadcast_in_dim3A = arith.constant 0.000000e+00 : f32
    %broadcast_in_dim3A_1 = vector.broadcast %broadcast_in_dim3A : f32 to vector<16xf32>
    %scan3A = arith.constant 0 : i32
    %scan3A_2 = arith.constant 0 : i32
    %scan3A_3 = arith.constant 120 : i32
    %scan3A_4 = arith.addi %scan3A_2, %scan3A_3 : i32
    %scan3A_5 = arith.constant 1 : i32
    scf.for %scan3A_50 = %scan3A_2 to %scan3A_4 step %scan3A_5  : i32 {
      %swap3A = arith.index_cast %scan3A_50 : i32 to index
      %swap3A_51 = arith.constant 0 : index
      %swap3A_52 = tpu.vector_load %arg7[%swap3A, %swap3A_51] {strides = array<i32>} : memref<125x128xf32, #tpu.memory_space<vmem>>, vector<1x16xf32>,
      %swap3A_53 = vector.shape_cast %swap3A_52 : vector<1x16xf32> to vector<16xf32>
      %swap3A_54 = vector.shape_cast %broadcast_in_dim3A_1 : vector<16xf32> to vector<1x16xf32>
      tpu.vector_store %arg7[%swap3A, %swap3A_51], %swap3A_54 {strides = array<i32>} : memref<125x128xf32, #tpu.memory_space<vmem>>, vector<1x16xf32>,
      %swap3A_55 = arith.index_cast %scan3A_50 : i32 to index
      %swap3A_56 = arith.constant 16 : index
      %swap3A_57 = tpu.vector_load %arg7[%swap3A_55, %swap3A_56] {strides = array<i32>} : memref<125x128xf32, #tpu.memory_space<vmem>>, vector<1x16xf32>,
      %swap3A_58 = vector.shape_cast %swap3A_57 : vector<1x16xf32> to vector<16xf32>
      %swap3A_59 = vector.shape_cast %broadcast_in_dim3A_1 : vector<16xf32> to vector<1x16xf32>
      tpu.vector_store %arg7[%swap3A_55, %swap3A_56], %swap3A_59 {strides = array<i32>} : memref<125x128xf32, #tpu.memory_space<vmem>>, vector<1x16xf32>,
      %swap3A_60 = arith.index_cast %scan3A_50 : i32 to index
      %swap3A_61 = arith.constant 32 : index
      %swap3A_62 = tpu.vector_load %arg7[%swap3A_60, %swap3A_61] {strides = array<i32>} : memref<125x128xf32, #tpu.memory_space<vmem>>, vector<1x16xf32>,
      %swap3A_63 = vector.shape_cast %swap3A_62 : vector<1x16xf32> to vector<16xf32>
      %swap3A_64 = vector.shape_cast %broadcast_in_dim3A_1 : vector<16xf32> to vector<1x16xf32>
      tpu.vector_store %arg7[%swap3A_60, %swap3A_61], %swap3A_64 {strides = array<i32>} : memref<125x128xf32, #tpu.memory_space<vmem>>, vector<1x16xf32>,
      %swap3A_65 = arith.index_cast %scan3A_50 : i32 to index
      %swap3A_66 = arith.constant 48 : index
      %swap3A_67 = tpu.vector_load %arg7[%swap3A_65, %swap3A_66] {strides = array<i32>} : memref<125x128xf32, #tpu.memory_space<vmem>>, vector<1x16xf32>,
      %swap3A_68 = vector.shape_cast %swap3A_67 : vector<1x16xf32> to vector<16xf32>
      %swap3A_69 = vector.shape_cast %broadcast_in_dim3A_1 : vector<16xf32> to vector<1x16xf32>
      tpu.vector_store %arg7[%swap3A_65, %swap3A_66], %swap3A_69 {strides = array<i32>} : memref<125x128xf32, #tpu.memory_space<vmem>>, vector<1x16xf32>,
      %swap3A_70 = arith.index_cast %scan3A_50 : i32 to index
      %swap3A_71 = arith.constant 64 : index
      %swap3A_72 = tpu.vector_load %arg7[%swap3A_70, %swap3A_71] {strides = array<i32>} : memref<125x128xf32, #tpu.memory_space<vmem>>, vector<1x16xf32>,
      %swap3A_73 = vector.shape_cast %swap3A_72 : vector<1x16xf32> to vector<16xf32>
      %swap3A_74 = vector.shape_cast %broadcast_in_dim3A_1 : vector<16xf32> to vector<1x16xf32>
      tpu.vector_store %arg7[%swap3A_70, %swap3A_71], %swap3A_74 {strides = array<i32>} : memref<125x128xf32, #tpu.memory_space<vmem>>, vector<1x16xf32>,
      %swap3A_75 = arith.index_cast %scan3A_50 : i32 to index
      %swap3A_76 = arith.constant 80 : index
      %swap3A_77 = tpu.vector_load %arg7[%swap3A_75, %swap3A_76] {strides = array<i32>} : memref<125x128xf32, #tpu.memory_space<vmem>>, vector<1x16xf32>,
      %swap3A_78 = vector.shape_cast %swap3A_77 : vector<1x16xf32> to vector<16xf32>
      %swap3A_79 = vector.shape_cast %broadcast_in_dim3A_1 : vector<16xf32> to vector<1x16xf32>
      tpu.vector_store %arg7[%swap3A_75, %swap3A_76], %swap3A_79 {strides = array<i32>} : memref<125x128xf32, #tpu.memory_space<vmem>>, vector<1x16xf32>,
      %swap3A_80 = arith.index_cast %scan3A_50 : i32 to index
      %swap3A_81 = arith.constant 96 : index
      %swap3A_82 = tpu.vector_load %arg7[%swap3A_80, %swap3A_81] {strides = array<i32>} : memref<125x128xf32, #tpu.memory_space<vmem>>, vector<1x16xf32>,
      %swap3A_83 = vector.shape_cast %swap3A_82 : vector<1x16xf32> to vector<16xf32>
      %swap3A_84 = vector.shape_cast %broadcast_in_dim3A_1 : vector<16xf32> to vector<1x16xf32>
      tpu.vector_store %arg7[%swap3A_80, %swap3A_81], %swap3A_84 {strides = array<i32>} : memref<125x128xf32, #tpu.memory_space<vmem>>, vector<1x16xf32>,
      %swap3A_85 = arith.index_cast %scan3A_50 : i32 to index
      %swap3A_86 = arith.constant 112 : index
      %swap3A_87 = tpu.vector_load %arg7[%swap3A_85, %swap3A_86] {strides = array<i32>} : memref<125x128xf32, #tpu.memory_space<vmem>>, vector<1x16xf32>,
      %swap3A_88 = vector.shape_cast %swap3A_87 : vector<1x16xf32> to vector<16xf32>
      %swap3A_89 = vector.shape_cast %broadcast_in_dim3A_1 : vector<16xf32> to vector<1x16xf32>
      tpu.vector_store %arg7[%swap3A_85, %swap3A_86], %swap3A_89 {strides = array<i32>} : memref<125x128xf32, #tpu.memory_space<vmem>>, vector<1x16xf32>,
    }
    %scan3A_6 = arith.constant 120 : i32
    %mul3A_7 = arith.constant 632 : i32
    %mul3A_8 = arith.muli %arg1, %mul3A_7 : i32
    %add3A_9 = arith.constant 0 : i32
    %add3A_10 = arith.addi %mul3A_8, %add3A_9 : i32
    "tpu.region"() ({
      %run_scoped3A_50 = tpu.sem_alloc : memref<!tpu.dma_semaphore, #tpu.memory_space<semaphore_mem>>
      %dma_start3A_51 = arith.constant 0 : i32
      %dma_start3A_52 = arith.constant 0 : i32
      %dma_start3A_53 = tpu.memref_slice %arg7[%dma_start3A_51, %dma_start3A_52] : memref<125x128xf32, #tpu.memory_space<vmem>> -> memref<120x128xf32, #tpu.memory_space<vmem>>
      %dma_start3A_54 = arith.constant 0 : i32
      %dma_start3A_55 = tpu.memref_slice %arg9[%add3A_10, %dma_start3A_54] : memref<10112x128xf32, #tpu.memory_space<vmem_shared>> -> memref<120x128xf32, #tpu.memory_space<vmem_shared>>
      %dma_start3A_56 = arith.constant 0 : i32
      %dma_start3A_57 = tpu.memref_slice %arg9[%add3A_10, %dma_start3A_56] : memref<10112x128xf32, #tpu.memory_space<vmem_shared>> -> memref<120x128xf32, #tpu.memory_space<vmem_shared>>
      %dma_start3A_58 = arith.constant 0 : i32
      %dma_start3A_59 = arith.constant 0 : i32
      %dma_start3A_60 = tpu.memref_slice %arg7[%dma_start3A_58, %dma_start3A_59] : memref<125x128xf32, #tpu.memory_space<vmem>> -> memref<120x128xf32, #tpu.memory_space<vmem>>
      tpu.enqueue_dma source(%dma_start3A_60 : memref<120x128xf32, #tpu.memory_space<vmem>>) target(%dma_start3A_57 : memref<120x128xf32, #tpu.memory_space<vmem_shared>>) target_semaphore(%run_scoped3A_50 : memref<!tpu.dma_semaphore, #tpu.memory_space<semaphore_mem>>)
      %dma_wait3A = arith.constant 0 : i32
      %dma_wait3A_61 = arith.constant 0 : i32
      %dma_wait3A_62 = tpu.memref_slice %arg7[%dma_wait3A, %dma_wait3A_61] : memref<125x128xf32, #tpu.memory_space<vmem>> -> memref<120x128xf32, #tpu.memory_space<vmem>>
      %dma_wait3A_63 = arith.constant 0 : i32
      %dma_wait3A_64 = tpu.memref_slice %arg9[%add3A_10, %dma_wait3A_63] : memref<10112x128xf32, #tpu.memory_space<vmem_shared>> -> memref<120x128xf32, #tpu.memory_space<vmem_shared>>
      %dma_wait3A_65 = arith.constant 0 : i32
      %dma_wait3A_66 = tpu.memref_slice %arg9[%add3A_10, %dma_wait3A_65] : memref<10112x128xf32, #tpu.memory_space<vmem_shared>> -> memref<120x128xf32, #tpu.memory_space<vmem_shared>>
      %dma_wait3A_67 = arith.constant 0 : i32
      %dma_wait3A_68 = arith.constant 0 : i32
      %dma_wait3A_69 = tpu.memref_slice %arg7[%dma_wait3A_67, %dma_wait3A_68] : memref<125x128xf32, #tpu.memory_space<vmem>> -> memref<120x128xf32, #tpu.memory_space<vmem>>
      tpu.wait_dma2 semaphore(%run_scoped3A_50 : memref<!tpu.dma_semaphore, #tpu.memory_space<semaphore_mem>>) src(%dma_wait3A_69 : memref<120x128xf32, #tpu.memory_space<vmem>>) dst(%dma_wait3A_66 : memref<120x128xf32, #tpu.memory_space<vmem_shared>>)
      tpu.yield
    }) : () -> ()
    %add3A_11 = arith.constant 120 : i32
    %add3A_12 = arith.addi %mul3A_8, %add3A_11 : i32
    "tpu.region"() ({
      %run_scoped3A_50 = tpu.sem_alloc : memref<!tpu.dma_semaphore, #tpu.memory_space<semaphore_mem>>
      %dma_start3A_51 = arith.constant 0 : i32
      %dma_start3A_52 = arith.constant 0 : i32
      %dma_start3A_53 = tpu.memref_slice %arg7[%dma_start3A_51, %dma_start3A_52] : memref<125x128xf32, #tpu.memory_space<vmem>> -> memref<120x128xf32, #tpu.memory_space<vmem>>
      %dma_start3A_54 = arith.constant 0 : i32
      %dma_start3A_55 = tpu.memref_slice %arg9[%add3A_12, %dma_start3A_54] : memref<10112x128xf32, #tpu.memory_space<vmem_shared>> -> memref<120x128xf32, #tpu.memory_space<vmem_shared>>
      %dma_start3A_56 = arith.constant 0 : i32
      %dma_start3A_57 = tpu.memref_slice %arg9[%add3A_12, %dma_start3A_56] : memref<10112x128xf32, #tpu.memory_space<vmem_shared>> -> memref<120x128xf32, #tpu.memory_space<vmem_shared>>
      %dma_start3A_58 = arith.constant 0 : i32
      %dma_start3A_59 = arith.constant 0 : i32
      %dma_start3A_60 = tpu.memref_slice %arg7[%dma_start3A_58, %dma_start3A_59] : memref<125x128xf32, #tpu.memory_space<vmem>> -> memref<120x128xf32, #tpu.memory_space<vmem>>
      tpu.enqueue_dma source(%dma_start3A_60 : memref<120x128xf32, #tpu.memory_space<vmem>>) target(%dma_start3A_57 : memref<120x128xf32, #tpu.memory_space<vmem_shared>>) target_semaphore(%run_scoped3A_50 : memref<!tpu.dma_semaphore, #tpu.memory_space<semaphore_mem>>)
      %dma_wait3A = arith.constant 0 : i32
      %dma_wait3A_61 = arith.constant 0 : i32
      %dma_wait3A_62 = tpu.memref_slice %arg7[%dma_wait3A, %dma_wait3A_61] : memref<125x128xf32, #tpu.memory_space<vmem>> -> memref<120x128xf32, #tpu.memory_space<vmem>>
      %dma_wait3A_63 = arith.constant 0 : i32
      %dma_wait3A_64 = tpu.memref_slice %arg9[%add3A_12, %dma_wait3A_63] : memref<10112x128xf32, #tpu.memory_space<vmem_shared>> -> memref<120x128xf32, #tpu.memory_space<vmem_shared>>
      %dma_wait3A_65 = arith.constant 0 : i32
      %dma_wait3A_66 = tpu.memref_slice %arg9[%add3A_12, %dma_wait3A_65] : memref<10112x128xf32, #tpu.memory_space<vmem_shared>> -> memref<120x128xf32, #tpu.memory_space<vmem_shared>>
      %dma_wait3A_67 = arith.constant 0 : i32
      %dma_wait3A_68 = arith.constant 0 : i32
      %dma_wait3A_69 = tpu.memref_slice %arg7[%dma_wait3A_67, %dma_wait3A_68] : memref<125x128xf32, #tpu.memory_space<vmem>> -> memref<120x128xf32, #tpu.memory_space<vmem>>
      tpu.wait_dma2 semaphore(%run_scoped3A_50 : memref<!tpu.dma_semaphore, #tpu.memory_space<semaphore_mem>>) src(%dma_wait3A_69 : memref<120x128xf32, #tpu.memory_space<vmem>>) dst(%dma_wait3A_66 : memref<120x128xf32, #tpu.memory_space<vmem_shared>>)
      tpu.yield
    }) : () -> ()
    %add3A_13 = arith.constant 240 : i32
    %add3A_14 = arith.addi %mul3A_8, %add3A_13 : i32
    "tpu.region"() ({
      %run_scoped3A_50 = tpu.sem_alloc : memref<!tpu.dma_semaphore, #tpu.memory_space<semaphore_mem>>
      %dma_start3A_51 = arith.constant 0 : i32
      %dma_start3A_52 = arith.constant 0 : i32
      %dma_start3A_53 = tpu.memref_slice %arg7[%dma_start3A_51, %dma_start3A_52] : memref<125x128xf32, #tpu.memory_space<vmem>> -> memref<120x128xf32, #tpu.memory_space<vmem>>
      %dma_start3A_54 = arith.constant 0 : i32
      %dma_start3A_55 = tpu.memref_slice %arg9[%add3A_14, %dma_start3A_54] : memref<10112x128xf32, #tpu.memory_space<vmem_shared>> -> memref<120x128xf32, #tpu.memory_space<vmem_shared>>
      %dma_start3A_56 = arith.constant 0 : i32
      %dma_start3A_57 = tpu.memref_slice %arg9[%add3A_14, %dma_start3A_56] : memref<10112x128xf32, #tpu.memory_space<vmem_shared>> -> memref<120x128xf32, #tpu.memory_space<vmem_shared>>
      %dma_start3A_58 = arith.constant 0 : i32
      %dma_start3A_59 = arith.constant 0 : i32
      %dma_start3A_60 = tpu.memref_slice %arg7[%dma_start3A_58, %dma_start3A_59] : memref<125x128xf32, #tpu.memory_space<vmem>> -> memref<120x128xf32, #tpu.memory_space<vmem>>
      tpu.enqueue_dma source(%dma_start3A_60 : memref<120x128xf32, #tpu.memory_space<vmem>>) target(%dma_start3A_57 : memref<120x128xf32, #tpu.memory_space<vmem_shared>>) target_semaphore(%run_scoped3A_50 : memref<!tpu.dma_semaphore, #tpu.memory_space<semaphore_mem>>)
      %dma_wait3A = arith.constant 0 : i32
      %dma_wait3A_61 = arith.constant 0 : i32
      %dma_wait3A_62 = tpu.memref_slice %arg7[%dma_wait3A, %dma_wait3A_61] : memref<125x128xf32, #tpu.memory_space<vmem>> -> memref<120x128xf32, #tpu.memory_space<vmem>>
      %dma_wait3A_63 = arith.constant 0 : i32
      %dma_wait3A_64 = tpu.memref_slice %arg9[%add3A_14, %dma_wait3A_63] : memref<10112x128xf32, #tpu.memory_space<vmem_shared>> -> memref<120x128xf32, #tpu.memory_space<vmem_shared>>
      %dma_wait3A_65 = arith.constant 0 : i32
      %dma_wait3A_66 = tpu.memref_slice %arg9[%add3A_14, %dma_wait3A_65] : memref<10112x128xf32, #tpu.memory_space<vmem_shared>> -> memref<120x128xf32, #tpu.memory_space<vmem_shared>>
      %dma_wait3A_67 = arith.constant 0 : i32
      %dma_wait3A_68 = arith.constant 0 : i32
      %dma_wait3A_69 = tpu.memref_slice %arg7[%dma_wait3A_67, %dma_wait3A_68] : memref<125x128xf32, #tpu.memory_space<vmem>> -> memref<120x128xf32, #tpu.memory_space<vmem>>
      tpu.wait_dma2 semaphore(%run_scoped3A_50 : memref<!tpu.dma_semaphore, #tpu.memory_space<semaphore_mem>>) src(%dma_wait3A_69 : memref<120x128xf32, #tpu.memory_space<vmem>>) dst(%dma_wait3A_66 : memref<120x128xf32, #tpu.memory_space<vmem_shared>>)
      tpu.yield
    }) : () -> ()
    %add3A_15 = arith.constant 360 : i32
    %add3A_16 = arith.addi %mul3A_8, %add3A_15 : i32
    "tpu.region"() ({
      %run_scoped3A_50 = tpu.sem_alloc : memref<!tpu.dma_semaphore, #tpu.memory_space<semaphore_mem>>
      %dma_start3A_51 = arith.constant 0 : i32
      %dma_start3A_52 = arith.constant 0 : i32
      %dma_start3A_53 = tpu.memref_slice %arg7[%dma_start3A_51, %dma_start3A_52] : memref<125x128xf32, #tpu.memory_space<vmem>> -> memref<120x128xf32, #tpu.memory_space<vmem>>
      %dma_start3A_54 = arith.constant 0 : i32
      %dma_start3A_55 = tpu.memref_slice %arg9[%add3A_16, %dma_start3A_54] : memref<10112x128xf32, #tpu.memory_space<vmem_shared>> -> memref<120x128xf32, #tpu.memory_space<vmem_shared>>
      %dma_start3A_56 = arith.constant 0 : i32
      %dma_start3A_57 = tpu.memref_slice %arg9[%add3A_16, %dma_start3A_56] : memref<10112x128xf32, #tpu.memory_space<vmem_shared>> -> memref<120x128xf32, #tpu.memory_space<vmem_shared>>
      %dma_start3A_58 = arith.constant 0 : i32
      %dma_start3A_59 = arith.constant 0 : i32
      %dma_start3A_60 = tpu.memref_slice %arg7[%dma_start3A_58, %dma_start3A_59] : memref<125x128xf32, #tpu.memory_space<vmem>> -> memref<120x128xf32, #tpu.memory_space<vmem>>
      tpu.enqueue_dma source(%dma_start3A_60 : memref<120x128xf32, #tpu.memory_space<vmem>>) target(%dma_start3A_57 : memref<120x128xf32, #tpu.memory_space<vmem_shared>>) target_semaphore(%run_scoped3A_50 : memref<!tpu.dma_semaphore, #tpu.memory_space<semaphore_mem>>)
      %dma_wait3A = arith.constant 0 : i32
      %dma_wait3A_61 = arith.constant 0 : i32
      %dma_wait3A_62 = tpu.memref_slice %arg7[%dma_wait3A, %dma_wait3A_61] : memref<125x128xf32, #tpu.memory_space<vmem>> -> memref<120x128xf32, #tpu.memory_space<vmem>>
      %dma_wait3A_63 = arith.constant 0 : i32
      %dma_wait3A_64 = tpu.memref_slice %arg9[%add3A_16, %dma_wait3A_63] : memref<10112x128xf32, #tpu.memory_space<vmem_shared>> -> memref<120x128xf32, #tpu.memory_space<vmem_shared>>
      %dma_wait3A_65 = arith.constant 0 : i32
      %dma_wait3A_66 = tpu.memref_slice %arg9[%add3A_16, %dma_wait3A_65] : memref<10112x128xf32, #tpu.memory_space<vmem_shared>> -> memref<120x128xf32, #tpu.memory_space<vmem_shared>>
      %dma_wait3A_67 = arith.constant 0 : i32
      %dma_wait3A_68 = arith.constant 0 : i32
      %dma_wait3A_69 = tpu.memref_slice %arg7[%dma_wait3A_67, %dma_wait3A_68] : memref<125x128xf32, #tpu.memory_space<vmem>> -> memref<120x128xf32, #tpu.memory_space<vmem>>
      tpu.wait_dma2 semaphore(%run_scoped3A_50 : memref<!tpu.dma_semaphore, #tpu.memory_space<semaphore_mem>>) src(%dma_wait3A_69 : memref<120x128xf32, #tpu.memory_space<vmem>>) dst(%dma_wait3A_66 : memref<120x128xf32, #tpu.memory_space<vmem_shared>>)
      tpu.yield
    }) : () -> ()
    %add3A_17 = arith.constant 480 : i32
    %add3A_18 = arith.addi %mul3A_8, %add3A_17 : i32
    "tpu.region"() ({
      %run_scoped3A_50 = tpu.sem_alloc : memref<!tpu.dma_semaphore, #tpu.memory_space<semaphore_mem>>
      %dma_start3A_51 = arith.constant 0 : i32
      %dma_start3A_52 = arith.constant 0 : i32
      %dma_start3A_53 = tpu.memref_slice %arg7[%dma_start3A_51, %dma_start3A_52] : memref<125x128xf32, #tpu.memory_space<vmem>> -> memref<120x128xf32, #tpu.memory_space<vmem>>
      %dma_start3A_54 = arith.constant 0 : i32
      %dma_start3A_55 = tpu.memref_slice %arg9[%add3A_18, %dma_start3A_54] : memref<10112x128xf32, #tpu.memory_space<vmem_shared>> -> memref<120x128xf32, #tpu.memory_space<vmem_shared>>
      %dma_start3A_56 = arith.constant 0 : i32
      %dma_start3A_57 = tpu.memref_slice %arg9[%add3A_18, %dma_start3A_56] : memref<10112x128xf32, #tpu.memory_space<vmem_shared>> -> memref<120x128xf32, #tpu.memory_space<vmem_shared>>
      %dma_start3A_58 = arith.constant 0 : i32
      %dma_start3A_59 = arith.constant 0 : i32
      %dma_start3A_60 = tpu.memref_slice %arg7[%dma_start3A_58, %dma_start3A_59] : memref<125x128xf32, #tpu.memory_space<vmem>> -> memref<120x128xf32, #tpu.memory_space<vmem>>
      tpu.enqueue_dma source(%dma_start3A_60 : memref<120x128xf32, #tpu.memory_space<vmem>>) target(%dma_start3A_57 : memref<120x128xf32, #tpu.memory_space<vmem_shared>>) target_semaphore(%run_scoped3A_50 : memref<!tpu.dma_semaphore, #tpu.memory_space<semaphore_mem>>)
      %dma_wait3A = arith.constant 0 : i32
      %dma_wait3A_61 = arith.constant 0 : i32
      %dma_wait3A_62 = tpu.memref_slice %arg7[%dma_wait3A, %dma_wait3A_61] : memref<125x128xf32, #tpu.memory_space<vmem>> -> memref<120x128xf32, #tpu.memory_space<vmem>>
      %dma_wait3A_63 = arith.constant 0 : i32
      %dma_wait3A_64 = tpu.memref_slice %arg9[%add3A_18, %dma_wait3A_63] : memref<10112x128xf32, #tpu.memory_space<vmem_shared>> -> memref<120x128xf32, #tpu.memory_space<vmem_shared>>
      %dma_wait3A_65 = arith.constant 0 : i32
      %dma_wait3A_66 = tpu.memref_slice %arg9[%add3A_18, %dma_wait3A_65] : memref<10112x128xf32, #tpu.memory_space<vmem_shared>> -> memref<120x128xf32, #tpu.memory_space<vmem_shared>>
      %dma_wait3A_67 = arith.constant 0 : i32
      %dma_wait3A_68 = arith.constant 0 : i32
      %dma_wait3A_69 = tpu.memref_slice %arg7[%dma_wait3A_67, %dma_wait3A_68] : memref<125x128xf32, #tpu.memory_space<vmem>> -> memref<120x128xf32, #tpu.memory_space<vmem>>
      tpu.wait_dma2 semaphore(%run_scoped3A_50 : memref<!tpu.dma_semaphore, #tpu.memory_space<semaphore_mem>>) src(%dma_wait3A_69 : memref<120x128xf32, #tpu.memory_space<vmem>>) dst(%dma_wait3A_66 : memref<120x128xf32, #tpu.memory_space<vmem_shared>>)
      tpu.yield
    }) : () -> ()
    %add3A_19 = arith.constant 600 : i32
    %add3A_20 = arith.addi %mul3A_8, %add3A_19 : i32
    "tpu.region"() ({
      %run_scoped3A_50 = tpu.sem_alloc : memref<!tpu.dma_semaphore, #tpu.memory_space<semaphore_mem>>
      %dma_start3A_51 = arith.constant 0 : i32
      %dma_start3A_52 = arith.constant 0 : i32
      %dma_start3A_53 = tpu.memref_slice %arg7[%dma_start3A_51, %dma_start3A_52] : memref<125x128xf32, #tpu.memory_space<vmem>> -> memref<32x128xf32, #tpu.memory_space<vmem>>
      %dma_start3A_54 = arith.constant 0 : i32
      %dma_start3A_55 = tpu.memref_slice %arg9[%add3A_20, %dma_start3A_54] : memref<10112x128xf32, #tpu.memory_space<vmem_shared>> -> memref<32x128xf32, #tpu.memory_space<vmem_shared>>
      %dma_start3A_56 = arith.constant 0 : i32
      %dma_start3A_57 = tpu.memref_slice %arg9[%add3A_20, %dma_start3A_56] : memref<10112x128xf32, #tpu.memory_space<vmem_shared>> -> memref<32x128xf32, #tpu.memory_space<vmem_shared>>
      %dma_start3A_58 = arith.constant 0 : i32
      %dma_start3A_59 = arith.constant 0 : i32
      %dma_start3A_60 = tpu.memref_slice %arg7[%dma_start3A_58, %dma_start3A_59] : memref<125x128xf32, #tpu.memory_space<vmem>> -> memref<32x128xf32, #tpu.memory_space<vmem>>
      tpu.enqueue_dma source(%dma_start3A_60 : memref<32x128xf32, #tpu.memory_space<vmem>>) target(%dma_start3A_57 : memref<32x128xf32, #tpu.memory_space<vmem_shared>>) target_semaphore(%run_scoped3A_50 : memref<!tpu.dma_semaphore, #tpu.memory_space<semaphore_mem>>)
      %dma_wait3A = arith.constant 0 : i32
      %dma_wait3A_61 = arith.constant 0 : i32
      %dma_wait3A_62 = tpu.memref_slice %arg7[%dma_wait3A, %dma_wait3A_61] : memref<125x128xf32, #tpu.memory_space<vmem>> -> memref<32x128xf32, #tpu.memory_space<vmem>>
      %dma_wait3A_63 = arith.constant 0 : i32
      %dma_wait3A_64 = tpu.memref_slice %arg9[%add3A_20, %dma_wait3A_63] : memref<10112x128xf32, #tpu.memory_space<vmem_shared>> -> memref<32x128xf32, #tpu.memory_space<vmem_shared>>
      %dma_wait3A_65 = arith.constant 0 : i32
      %dma_wait3A_66 = tpu.memref_slice %arg9[%add3A_20, %dma_wait3A_65] : memref<10112x128xf32, #tpu.memory_space<vmem_shared>> -> memref<32x128xf32, #tpu.memory_space<vmem_shared>>
      %dma_wait3A_67 = arith.constant 0 : i32
      %dma_wait3A_68 = arith.constant 0 : i32
      %dma_wait3A_69 = tpu.memref_slice %arg7[%dma_wait3A_67, %dma_wait3A_68] : memref<125x128xf32, #tpu.memory_space<vmem>> -> memref<32x128xf32, #tpu.memory_space<vmem>>
      tpu.wait_dma2 semaphore(%run_scoped3A_50 : memref<!tpu.dma_semaphore, #tpu.memory_space<semaphore_mem>>) src(%dma_wait3A_69 : memref<32x128xf32, #tpu.memory_space<vmem>>) dst(%dma_wait3A_66 : memref<32x128xf32, #tpu.memory_space<vmem_shared>>)
      tpu.yield
    }) : () -> ()
    %barrier3A = arith.constant 0 : index
    tpu.barrier barrier_id(%barrier3A)
    %run_scoped3A = arith.constant 0 : i32
    "tpu.region"() ({
      %run_scoped3A_50 = tpu.sem_alloc : memref<!tpu.dma_semaphore, #tpu.memory_space<semaphore_mem>>
      %dma_start3A_51 = arith.constant 0 : i32
      %dma_start3A_52 = arith.constant 0 : i32
      %dma_start3A_53 = tpu.memref_slice %arg3[%run_scoped3A, %add3A, %dma_start3A_51, %dma_start3A_52] : memref<2x32x80x125xi32, #tpu.memory_space<hbm>> -> memref<1x1x40x125xi32, #tpu.memory_space<hbm>>
      %dma_start3A_54 = tpu.memref_squeeze %dma_start3A_53 : memref<1x1x40x125xi32, #tpu.memory_space<hbm>> -> memref<40x125xi32, #tpu.memory_space<hbm>>
      %dma_start3A_55 = arith.constant 0 : i32
      %dma_start3A_56 = arith.constant 0 : i32
      %dma_start3A_57 = tpu.memref_slice %arg3[%run_scoped3A, %add3A, %dma_start3A_55, %dma_start3A_56] : memref<2x32x80x125xi32, #tpu.memory_space<hbm>> -> memref<1x1x40x125xi32, #tpu.memory_space<hbm>>
      %dma_start3A_58 = tpu.memref_squeeze %dma_start3A_57 : memref<1x1x40x125xi32, #tpu.memory_space<hbm>> -> memref<40x125xi32, #tpu.memory_space<hbm>>
      tpu.enqueue_dma source(%dma_start3A_58 : memref<40x125xi32, #tpu.memory_space<hbm>>) target(%arg5 : memref<40x125xi32, #tpu.memory_space<vmem>>) target_semaphore(%run_scoped3A_50 : memref<!tpu.dma_semaphore, #tpu.memory_space<semaphore_mem>>)
      %dma_wait3A = arith.constant 0 : i32
      %dma_wait3A_59 = arith.constant 0 : i32
      %dma_wait3A_60 = tpu.memref_slice %arg3[%run_scoped3A, %add3A, %dma_wait3A, %dma_wait3A_59] : memref<2x32x80x125xi32, #tpu.memory_space<hbm>> -> memref<1x1x40x125xi32, #tpu.memory_space<hbm>>
      %dma_wait3A_61 = tpu.memref_squeeze %dma_wait3A_60 : memref<1x1x40x125xi32, #tpu.memory_space<hbm>> -> memref<40x125xi32, #tpu.memory_space<hbm>>
      %dma_wait3A_62 = arith.constant 0 : i32
      %dma_wait3A_63 = arith.constant 0 : i32
      %dma_wait3A_64 = tpu.memref_slice %arg3[%run_scoped3A, %add3A, %dma_wait3A_62, %dma_wait3A_63] : memref<2x32x80x125xi32, #tpu.memory_space<hbm>> -> memref<1x1x40x125xi32, #tpu.memory_space<hbm>>
      %dma_wait3A_65 = tpu.memref_squeeze %dma_wait3A_64 : memref<1x1x40x125xi32, #tpu.memory_space<hbm>> -> memref<40x125xi32, #tpu.memory_space<hbm>>
      tpu.wait_dma2 semaphore(%run_scoped3A_50 : memref<!tpu.dma_semaphore, #tpu.memory_space<semaphore_mem>>) src(%dma_wait3A_65 : memref<40x125xi32, #tpu.memory_space<hbm>>) dst(%arg5 : memref<40x125xi32, #tpu.memory_space<vmem>>)
      tpu.yield
    }) : () -> ()
    %run_scoped3A_21 = arith.constant 1 : i32
    "tpu.region"() ({
      %run_scoped3A_50 = tpu.sem_alloc : memref<!tpu.dma_semaphore, #tpu.memory_space<semaphore_mem>>
      %dma_start3A_51 = arith.constant 0 : i32
      %dma_start3A_52 = arith.constant 0 : i32
      %dma_start3A_53 = tpu.memref_slice %arg3[%run_scoped3A_21, %add3A, %dma_start3A_51, %dma_start3A_52] : memref<2x32x80x125xi32, #tpu.memory_space<hbm>> -> memref<1x1x40x125xi32, #tpu.memory_space<hbm>>
      %dma_start3A_54 = tpu.memref_squeeze %dma_start3A_53 : memref<1x1x40x125xi32, #tpu.memory_space<hbm>> -> memref<40x125xi32, #tpu.memory_space<hbm>>
      %dma_start3A_55 = arith.constant 0 : i32
      %dma_start3A_56 = arith.constant 0 : i32
      %dma_start3A_57 = tpu.memref_slice %arg3[%run_scoped3A_21, %add3A, %dma_start3A_55, %dma_start3A_56] : memref<2x32x80x125xi32, #tpu.memory_space<hbm>> -> memref<1x1x40x125xi32, #tpu.memory_space<hbm>>
      %dma_start3A_58 = tpu.memref_squeeze %dma_start3A_57 : memref<1x1x40x125xi32, #tpu.memory_space<hbm>> -> memref<40x125xi32, #tpu.memory_space<hbm>>
      tpu.enqueue_dma source(%dma_start3A_58 : memref<40x125xi32, #tpu.memory_space<hbm>>) target(%arg6 : memref<40x125xi32, #tpu.memory_space<vmem>>) target_semaphore(%run_scoped3A_50 : memref<!tpu.dma_semaphore, #tpu.memory_space<semaphore_mem>>)
      %dma_wait3A = arith.constant 0 : i32
      %dma_wait3A_59 = arith.constant 0 : i32
      %dma_wait3A_60 = tpu.memref_slice %arg3[%run_scoped3A_21, %add3A, %dma_wait3A, %dma_wait3A_59] : memref<2x32x80x125xi32, #tpu.memory_space<hbm>> -> memref<1x1x40x125xi32, #tpu.memory_space<hbm>>
      %dma_wait3A_61 = tpu.memref_squeeze %dma_wait3A_60 : memref<1x1x40x125xi32, #tpu.memory_space<hbm>> -> memref<40x125xi32, #tpu.memory_space<hbm>>
      %dma_wait3A_62 = arith.constant 0 : i32
      %dma_wait3A_63 = arith.constant 0 : i32
      %dma_wait3A_64 = tpu.memref_slice %arg3[%run_scoped3A_21, %add3A, %dma_wait3A_62, %dma_wait3A_63] : memref<2x32x80x125xi32, #tpu.memory_space<hbm>> -> memref<1x1x40x125xi32, #tpu.memory_space<hbm>>
      %dma_wait3A_65 = tpu.memref_squeeze %dma_wait3A_64 : memref<1x1x40x125xi32, #tpu.memory_space<hbm>> -> memref<40x125xi32, #tpu.memory_space<hbm>>
      tpu.wait_dma2 semaphore(%run_scoped3A_50 : memref<!tpu.dma_semaphore, #tpu.memory_space<semaphore_mem>>) src(%dma_wait3A_65 : memref<40x125xi32, #tpu.memory_space<hbm>>) dst(%arg6 : memref<40x125xi32, #tpu.memory_space<vmem>>)
      tpu.yield
    }) : () -> ()
    %dma_start3A = arith.constant 0 : i32
    %dma_start3A_22 = arith.constant 0 : i32
    %dma_start3A_23 = tpu.memref_slice %arg5[%dma_start3A, %dma_start3A_22] : memref<40x125xi32, #tpu.memory_space<vmem>> -> memref<1x125xi32, #tpu.memory_space<vmem>>
    %dma_start3A_24 = tpu.memref_squeeze %dma_start3A_23 : memref<1x125xi32, #tpu.memory_space<vmem>> -> memref<125xi32, #tpu.memory_space<vmem>>
    %dma_start3A_25 = arith.constant 0 : i32
    %dma_start3A_26 = arith.constant 0 : i32
    %dma_start3A_27 = tpu.memref_slice %arg2[%dma_start3A_25, %dma_start3A_26] : memref<10000x128xf32, #tpu.memory_space<hbm>> -> memref<10000x128xf32, #tpu.memory_space<hbm>>
    tpu.enqueue_indirect_dma source(%dma_start3A_27 : memref<10000x128xf32, #tpu.memory_space<hbm>>) target(%arg7 : memref<125x128xf32, #tpu.memory_space<vmem>>) offsets(%dma_start3A_24 : memref<125xi32, #tpu.memory_space<vmem>>) semaphore(%arg10 : memref<!tpu.dma_semaphore, #tpu.memory_space<semaphore_mem>>)
    %scan3A_28 = arith.constant 0 : i32
    %scan3A_29 = arith.constant 0 : i32
    %scan3A_30 = arith.constant 20 : i32
    %scan3A_31 = arith.addi %scan3A_29, %scan3A_30 : i32
    %scan3A_32 = arith.constant 1 : i32
    scf.for %scan3A_50 = %scan3A_29 to %scan3A_31 step %scan3A_32  : i32 {
      %mul3A_51 = arith.constant 2 : i32
      %mul3A_52 = arith.muli %mul3A_51, %scan3A_50 : i32
      %add3A_53 = arith.constant 1 : i32
      %add3A_54 = arith.addi %mul3A_52, %add3A_53 : i32
      %dma_start3A_55 = arith.constant 0 : i32
      %dma_start3A_56 = tpu.memref_slice %arg5[%add3A_54, %dma_start3A_55] : memref<40x125xi32, #tpu.memory_space<vmem>> -> memref<1x125xi32, #tpu.memory_space<vmem>>
      %dma_start3A_57 = tpu.memref_squeeze %dma_start3A_56 : memref<1x125xi32, #tpu.memory_space<vmem>> -> memref<125xi32, #tpu.memory_space<vmem>>
      %dma_start3A_58 = arith.constant 0 : i32
      %dma_start3A_59 = arith.constant 0 : i32
      %dma_start3A_60 = tpu.memref_slice %arg2[%dma_start3A_58, %dma_start3A_59] : memref<10000x128xf32, #tpu.memory_space<hbm>> -> memref<10000x128xf32, #tpu.memory_space<hbm>>
      tpu.enqueue_indirect_dma source(%dma_start3A_60 : memref<10000x128xf32, #tpu.memory_space<hbm>>) target(%arg8 : memref<125x128xf32, #tpu.memory_space<vmem>>) offsets(%dma_start3A_57 : memref<125xi32, #tpu.memory_space<vmem>>) semaphore(%arg11 : memref<!tpu.dma_semaphore, #tpu.memory_space<semaphore_mem>>)
      %dma_wait3A = arith.constant 0 : i32
      %dma_wait3A_61 = tpu.memref_slice %arg5[%mul3A_52, %dma_wait3A] : memref<40x125xi32, #tpu.memory_space<vmem>> -> memref<1x125xi32, #tpu.memory_space<vmem>>
      %dma_wait3A_62 = tpu.memref_squeeze %dma_wait3A_61 : memref<1x125xi32, #tpu.memory_space<vmem>> -> memref<125xi32, #tpu.memory_space<vmem>>
      %dma_wait3A_63 = arith.constant 0 : i32
      %dma_wait3A_64 = arith.constant 0 : i32
      %dma_wait3A_65 = tpu.memref_slice %arg2[%dma_wait3A_63, %dma_wait3A_64] : memref<10000x128xf32, #tpu.memory_space<hbm>> -> memref<10000x128xf32, #tpu.memory_space<hbm>>
      tpu.wait_indirect_dma semaphore(%arg10 : memref<!tpu.dma_semaphore, #tpu.memory_space<semaphore_mem>>) src(%dma_wait3A_65 : memref<10000x128xf32, #tpu.memory_space<hbm>>) dst(%arg7 : memref<125x128xf32, #tpu.memory_space<vmem>>)
      "tpu.region"() ({
        %run_scoped3A_78 = tpu.sem_alloc : memref<!tpu.dma_semaphore, #tpu.memory_space<semaphore_mem>>
        %dma_start3A_79 = arith.constant 0 : i32
        %dma_start3A_80 = tpu.memref_slice %arg6[%mul3A_52, %dma_start3A_79] : memref<40x125xi32, #tpu.memory_space<vmem>> -> memref<1x125xi32, #tpu.memory_space<vmem>>
        %dma_start3A_81 = tpu.memref_squeeze %dma_start3A_80 : memref<1x125xi32, #tpu.memory_space<vmem>> -> memref<125xi32, #tpu.memory_space<vmem>>
        %dma_start3A_82 = arith.constant 0 : i32
        %dma_start3A_83 = arith.constant 0 : i32
        %dma_start3A_84 = tpu.memref_slice %arg9[%dma_start3A_82, %dma_start3A_83] : memref<10112x128xf32, #tpu.memory_space<vmem_shared>> -> memref<10112x128xf32, #tpu.memory_space<vmem_shared>>
        tpu.enqueue_indirect_dma source(%arg7 : memref<125x128xf32, #tpu.memory_space<vmem>>) target(%dma_start3A_84 : memref<10112x128xf32, #tpu.memory_space<vmem_shared>>) offsets(%dma_start3A_81 : memref<125xi32, #tpu.memory_space<vmem>>) semaphore(%run_scoped3A_78 : memref<!tpu.dma_semaphore, #tpu.memory_space<semaphore_mem>>) {add = true}
        %dma_wait3A_85 = arith.constant 0 : i32
        %dma_wait3A_86 = tpu.memref_slice %arg6[%mul3A_52, %dma_wait3A_85] : memref<40x125xi32, #tpu.memory_space<vmem>> -> memref<1x125xi32, #tpu.memory_space<vmem>>
        %dma_wait3A_87 = tpu.memref_squeeze %dma_wait3A_86 : memref<1x125xi32, #tpu.memory_space<vmem>> -> memref<125xi32, #tpu.memory_space<vmem>>
        %dma_wait3A_88 = arith.constant 0 : i32
        %dma_wait3A_89 = arith.constant 0 : i32
        %dma_wait3A_90 = tpu.memref_slice %arg9[%dma_wait3A_88, %dma_wait3A_89] : memref<10112x128xf32, #tpu.memory_space<vmem_shared>> -> memref<10112x128xf32, #tpu.memory_space<vmem_shared>>
        tpu.wait_indirect_dma semaphore(%run_scoped3A_78 : memref<!tpu.dma_semaphore, #tpu.memory_space<semaphore_mem>>) src(%arg7 : memref<125x128xf32, #tpu.memory_space<vmem>>) dst(%dma_wait3A_90 : memref<10112x128xf32, #tpu.memory_space<vmem_shared>>)
        tpu.yield
      }) : () -> ()
      %lt3A = arith.constant 19 : i32
      %lt3A_66 = arith.cmpi slt, %scan3A_50, %lt3A : i32
      %convert_element_type3A = arith.extui %lt3A_66 : i1 to i32
      %cond3A = arith.constant 0 : i32
      %cond3A_67 = arith.cmpi ne, %convert_element_type3A, %cond3A : i32
      scf.if %cond3A_67 {
        %add3A_78 = arith.constant 2 : i32
        %add3A_79 = arith.addi %mul3A_52, %add3A_78 : i32
        %dma_start3A_80 = arith.constant 0 : i32
        %dma_start3A_81 = tpu.memref_slice %arg5[%add3A_79, %dma_start3A_80] : memref<40x125xi32, #tpu.memory_space<vmem>> -> memref<1x125xi32, #tpu.memory_space<vmem>>
        %dma_start3A_82 = tpu.memref_squeeze %dma_start3A_81 : memref<1x125xi32, #tpu.memory_space<vmem>> -> memref<125xi32, #tpu.memory_space<vmem>>
        %dma_start3A_83 = arith.constant 0 : i32
        %dma_start3A_84 = arith.constant 0 : i32
        %dma_start3A_85 = tpu.memref_slice %arg2[%dma_start3A_83, %dma_start3A_84] : memref<10000x128xf32, #tpu.memory_space<hbm>> -> memref<10000x128xf32, #tpu.memory_space<hbm>>
        tpu.enqueue_indirect_dma source(%dma_start3A_85 : memref<10000x128xf32, #tpu.memory_space<hbm>>) target(%arg7 : memref<125x128xf32, #tpu.memory_space<vmem>>) offsets(%dma_start3A_82 : memref<125xi32, #tpu.memory_space<vmem>>) semaphore(%arg10 : memref<!tpu.dma_semaphore, #tpu.memory_space<semaphore_mem>>)
      } else {
      }
      %add3A_68 = arith.constant 1 : i32
      %add3A_69 = arith.addi %mul3A_52, %add3A_68 : i32
      %dma_wait3A_70 = arith.constant 0 : i32
      %dma_wait3A_71 = tpu.memref_slice %arg5[%add3A_69, %dma_wait3A_70] : memref<40x125xi32, #tpu.memory_space<vmem>> -> memref<1x125xi32, #tpu.memory_space<vmem>>
      %dma_wait3A_72 = tpu.memref_squeeze %dma_wait3A_71 : memref<1x125xi32, #tpu.memory_space<vmem>> -> memref<125xi32, #tpu.memory_space<vmem>>
      %dma_wait3A_73 = arith.constant 0 : i32
      %dma_wait3A_74 = arith.constant 0 : i32
      %dma_wait3A_75 = tpu.memref_slice %arg2[%dma_wait3A_73, %dma_wait3A_74] : memref<10000x128xf32, #tpu.memory_space<hbm>> -> memref<10000x128xf32, #tpu.memory_space<hbm>>
      tpu.wait_indirect_dma semaphore(%arg11 : memref<!tpu.dma_semaphore, #tpu.memory_space<semaphore_mem>>) src(%dma_wait3A_75 : memref<10000x128xf32, #tpu.memory_space<hbm>>) dst(%arg8 : memref<125x128xf32, #tpu.memory_space<vmem>>)
      %add3A_76 = arith.constant 1 : i32
      %add3A_77 = arith.addi %mul3A_52, %add3A_76 : i32
      "tpu.region"() ({
        %run_scoped3A_78 = tpu.sem_alloc : memref<!tpu.dma_semaphore, #tpu.memory_space<semaphore_mem>>
        %dma_start3A_79 = arith.constant 0 : i32
        %dma_start3A_80 = tpu.memref_slice %arg6[%add3A_77, %dma_start3A_79] : memref<40x125xi32, #tpu.memory_space<vmem>> -> memref<1x125xi32, #tpu.memory_space<vmem>>
        %dma_start3A_81 = tpu.memref_squeeze %dma_start3A_80 : memref<1x125xi32, #tpu.memory_space<vmem>> -> memref<125xi32, #tpu.memory_space<vmem>>
        %dma_start3A_82 = arith.constant 0 : i32
        %dma_start3A_83 = arith.constant 0 : i32
        %dma_start3A_84 = tpu.memref_slice %arg9[%dma_start3A_82, %dma_start3A_83] : memref<10112x128xf32, #tpu.memory_space<vmem_shared>> -> memref<10112x128xf32, #tpu.memory_space<vmem_shared>>
        tpu.enqueue_indirect_dma source(%arg8 : memref<125x128xf32, #tpu.memory_space<vmem>>) target(%dma_start3A_84 : memref<10112x128xf32, #tpu.memory_space<vmem_shared>>) offsets(%dma_start3A_81 : memref<125xi32, #tpu.memory_space<vmem>>) semaphore(%run_scoped3A_78 : memref<!tpu.dma_semaphore, #tpu.memory_space<semaphore_mem>>) {add = true}
        %dma_wait3A_85 = arith.constant 0 : i32
        %dma_wait3A_86 = tpu.memref_slice %arg6[%add3A_77, %dma_wait3A_85] : memref<40x125xi32, #tpu.memory_space<vmem>> -> memref<1x125xi32, #tpu.memory_space<vmem>>
        %dma_wait3A_87 = tpu.memref_squeeze %dma_wait3A_86 : memref<1x125xi32, #tpu.memory_space<vmem>> -> memref<125xi32, #tpu.memory_space<vmem>>
        %dma_wait3A_88 = arith.constant 0 : i32
        %dma_wait3A_89 = arith.constant 0 : i32
        %dma_wait3A_90 = tpu.memref_slice %arg9[%dma_wait3A_88, %dma_wait3A_89] : memref<10112x128xf32, #tpu.memory_space<vmem_shared>> -> memref<10112x128xf32, #tpu.memory_space<vmem_shared>>
        tpu.wait_indirect_dma semaphore(%run_scoped3A_78 : memref<!tpu.dma_semaphore, #tpu.memory_space<semaphore_mem>>) src(%arg8 : memref<125x128xf32, #tpu.memory_space<vmem>>) dst(%dma_wait3A_90 : memref<10112x128xf32, #tpu.memory_space<vmem_shared>>)
        tpu.yield
      }) : () -> ()
    }
    %scan3A_33 = arith.constant 20 : i32
    %run_scoped3A_34 = arith.constant 0 : i32
    "tpu.region"() ({
      %run_scoped3A_50 = tpu.sem_alloc : memref<!tpu.dma_semaphore, #tpu.memory_space<semaphore_mem>>
      %dma_start3A_51 = arith.constant 40 : i32
      %dma_start3A_52 = arith.constant 0 : i32
      %dma_start3A_53 = tpu.memref_slice %arg3[%run_scoped3A_34, %add3A, %dma_start3A_51, %dma_start3A_52] : memref<2x32x80x125xi32, #tpu.memory_space<hbm>> -> memref<1x1x40x125xi32, #tpu.memory_space<hbm>>
      %dma_start3A_54 = tpu.memref_squeeze %dma_start3A_53 : memref<1x1x40x125xi32, #tpu.memory_space<hbm>> -> memref<40x125xi32, #tpu.memory_space<hbm>>
      %dma_start3A_55 = arith.constant 40 : i32
      %dma_start3A_56 = arith.constant 0 : i32
      %dma_start3A_57 = tpu.memref_slice %arg3[%run_scoped3A_34, %add3A, %dma_start3A_55, %dma_start3A_56] : memref<2x32x80x125xi32, #tpu.memory_space<hbm>> -> memref<1x1x40x125xi32, #tpu.memory_space<hbm>>
      %dma_start3A_58 = tpu.memref_squeeze %dma_start3A_57 : memref<1x1x40x125xi32, #tpu.memory_space<hbm>> -> memref<40x125xi32, #tpu.memory_space<hbm>>
      tpu.enqueue_dma source(%dma_start3A_58 : memref<40x125xi32, #tpu.memory_space<hbm>>) target(%arg5 : memref<40x125xi32, #tpu.memory_space<vmem>>) target_semaphore(%run_scoped3A_50 : memref<!tpu.dma_semaphore, #tpu.memory_space<semaphore_mem>>)
      %dma_wait3A = arith.constant 40 : i32
      %dma_wait3A_59 = arith.constant 0 : i32
      %dma_wait3A_60 = tpu.memref_slice %arg3[%run_scoped3A_34, %add3A, %dma_wait3A, %dma_wait3A_59] : memref<2x32x80x125xi32, #tpu.memory_space<hbm>> -> memref<1x1x40x125xi32, #tpu.memory_space<hbm>>
      %dma_wait3A_61 = tpu.memref_squeeze %dma_wait3A_60 : memref<1x1x40x125xi32, #tpu.memory_space<hbm>> -> memref<40x125xi32, #tpu.memory_space<hbm>>
      %dma_wait3A_62 = arith.constant 40 : i32
      %dma_wait3A_63 = arith.constant 0 : i32
      %dma_wait3A_64 = tpu.memref_slice %arg3[%run_scoped3A_34, %add3A, %dma_wait3A_62, %dma_wait3A_63] : memref<2x32x80x125xi32, #tpu.memory_space<hbm>> -> memref<1x1x40x125xi32, #tpu.memory_space<hbm>>
      %dma_wait3A_65 = tpu.memref_squeeze %dma_wait3A_64 : memref<1x1x40x125xi32, #tpu.memory_space<hbm>> -> memref<40x125xi32, #tpu.memory_space<hbm>>
      tpu.wait_dma2 semaphore(%run_scoped3A_50 : memref<!tpu.dma_semaphore, #tpu.memory_space<semaphore_mem>>) src(%dma_wait3A_65 : memref<40x125xi32, #tpu.memory_space<hbm>>) dst(%arg5 : memref<40x125xi32, #tpu.memory_space<vmem>>)
      tpu.yield
    }) : () -> ()
    %run_scoped3A_35 = arith.constant 1 : i32
    "tpu.region"() ({
      %run_scoped3A_50 = tpu.sem_alloc : memref<!tpu.dma_semaphore, #tpu.memory_space<semaphore_mem>>
      %dma_start3A_51 = arith.constant 40 : i32
      %dma_start3A_52 = arith.constant 0 : i32
      %dma_start3A_53 = tpu.memref_slice %arg3[%run_scoped3A_35, %add3A, %dma_start3A_51, %dma_start3A_52] : memref<2x32x80x125xi32, #tpu.memory_space<hbm>> -> memref<1x1x40x125xi32, #tpu.memory_space<hbm>>
      %dma_start3A_54 = tpu.memref_squeeze %dma_start3A_53 : memref<1x1x40x125xi32, #tpu.memory_space<hbm>> -> memref<40x125xi32, #tpu.memory_space<hbm>>
      %dma_start3A_55 = arith.constant 40 : i32
      %dma_start3A_56 = arith.constant 0 : i32
      %dma_start3A_57 = tpu.memref_slice %arg3[%run_scoped3A_35, %add3A, %dma_start3A_55, %dma_start3A_56] : memref<2x32x80x125xi32, #tpu.memory_space<hbm>> -> memref<1x1x40x125xi32, #tpu.memory_space<hbm>>
      %dma_start3A_58 = tpu.memref_squeeze %dma_start3A_57 : memref<1x1x40x125xi32, #tpu.memory_space<hbm>> -> memref<40x125xi32, #tpu.memory_space<hbm>>
      tpu.enqueue_dma source(%dma_start3A_58 : memref<40x125xi32, #tpu.memory_space<hbm>>) target(%arg6 : memref<40x125xi32, #tpu.memory_space<vmem>>) target_semaphore(%run_scoped3A_50 : memref<!tpu.dma_semaphore, #tpu.memory_space<semaphore_mem>>)
      %dma_wait3A = arith.constant 40 : i32
      %dma_wait3A_59 = arith.constant 0 : i32
      %dma_wait3A_60 = tpu.memref_slice %arg3[%run_scoped3A_35, %add3A, %dma_wait3A, %dma_wait3A_59] : memref<2x32x80x125xi32, #tpu.memory_space<hbm>> -> memref<1x1x40x125xi32, #tpu.memory_space<hbm>>
      %dma_wait3A_61 = tpu.memref_squeeze %dma_wait3A_60 : memref<1x1x40x125xi32, #tpu.memory_space<hbm>> -> memref<40x125xi32, #tpu.memory_space<hbm>>
      %dma_wait3A_62 = arith.constant 40 : i32
      %dma_wait3A_63 = arith.constant 0 : i32
      %dma_wait3A_64 = tpu.memref_slice %arg3[%run_scoped3A_35, %add3A, %dma_wait3A_62, %dma_wait3A_63] : memref<2x32x80x125xi32, #tpu.memory_space<hbm>> -> memref<1x1x40x125xi32, #tpu.memory_space<hbm>>
      %dma_wait3A_65 = tpu.memref_squeeze %dma_wait3A_64 : memref<1x1x40x125xi32, #tpu.memory_space<hbm>> -> memref<40x125xi32, #tpu.memory_space<hbm>>
      tpu.wait_dma2 semaphore(%run_scoped3A_50 : memref<!tpu.dma_semaphore, #tpu.memory_space<semaphore_mem>>) src(%dma_wait3A_65 : memref<40x125xi32, #tpu.memory_space<hbm>>) dst(%arg6 : memref<40x125xi32, #tpu.memory_space<vmem>>)
      tpu.yield
    }) : () -> ()
    %dma_start3A_36 = arith.constant 0 : i32
    %dma_start3A_37 = arith.constant 0 : i32
    %dma_start3A_38 = tpu.memref_slice %arg5[%dma_start3A_36, %dma_start3A_37] : memref<40x125xi32, #tpu.memory_space<vmem>> -> memref<1x125xi32, #tpu.memory_space<vmem>>
    %dma_start3A_39 = tpu.memref_squeeze %dma_start3A_38 : memref<1x125xi32, #tpu.memory_space<vmem>> -> memref<125xi32, #tpu.memory_space<vmem>>
    %dma_start3A_40 = arith.constant 0 : i32
    %dma_start3A_41 = arith.constant 0 : i32
    %dma_start3A_42 = tpu.memref_slice %arg2[%dma_start3A_40, %dma_start3A_41] : memref<10000x128xf32, #tpu.memory_space<hbm>> -> memref<10000x128xf32, #tpu.memory_space<hbm>>
    tpu.enqueue_indirect_dma source(%dma_start3A_42 : memref<10000x128xf32, #tpu.memory_space<hbm>>) target(%arg7 : memref<125x128xf32, #tpu.memory_space<vmem>>) offsets(%dma_start3A_39 : memref<125xi32, #tpu.memory_space<vmem>>) semaphore(%arg10 : memref<!tpu.dma_semaphore, #tpu.memory_space<semaphore_mem>>)
    %scan3A_43 = arith.constant 0 : i32
    %scan3A_44 = arith.constant 0 : i32
    %scan3A_45 = arith.constant 20 : i32
    %scan3A_46 = arith.addi %scan3A_44, %scan3A_45 : i32
    %scan3A_47 = arith.constant 1 : i32
    scf.for %scan3A_50 = %scan3A_44 to %scan3A_46 step %scan3A_47  : i32 {
      %mul3A_51 = arith.constant 2 : i32
      %mul3A_52 = arith.muli %mul3A_51, %scan3A_50 : i32
      %add3A_53 = arith.constant 1 : i32
      %add3A_54 = arith.addi %mul3A_52, %add3A_53 : i32
      %dma_start3A_55 = arith.constant 0 : i32
      %dma_start3A_56 = tpu.memref_slice %arg5[%add3A_54, %dma_start3A_55] : memref<40x125xi32, #tpu.memory_space<vmem>> -> memref<1x125xi32, #tpu.memory_space<vmem>>
      %dma_start3A_57 = tpu.memref_squeeze %dma_start3A_56 : memref<1x125xi32, #tpu.memory_space<vmem>> -> memref<125xi32, #tpu.memory_space<vmem>>
      %dma_start3A_58 = arith.constant 0 : i32
      %dma_start3A_59 = arith.constant 0 : i32
      %dma_start3A_60 = tpu.memref_slice %arg2[%dma_start3A_58, %dma_start3A_59] : memref<10000x128xf32, #tpu.memory_space<hbm>> -> memref<10000x128xf32, #tpu.memory_space<hbm>>
      tpu.enqueue_indirect_dma source(%dma_start3A_60 : memref<10000x128xf32, #tpu.memory_space<hbm>>) target(%arg8 : memref<125x128xf32, #tpu.memory_space<vmem>>) offsets(%dma_start3A_57 : memref<125xi32, #tpu.memory_space<vmem>>) semaphore(%arg11 : memref<!tpu.dma_semaphore, #tpu.memory_space<semaphore_mem>>)
      %dma_wait3A = arith.constant 0 : i32
      %dma_wait3A_61 = tpu.memref_slice %arg5[%mul3A_52, %dma_wait3A] : memref<40x125xi32, #tpu.memory_space<vmem>> -> memref<1x125xi32, #tpu.memory_space<vmem>>
      %dma_wait3A_62 = tpu.memref_squeeze %dma_wait3A_61 : memref<1x125xi32, #tpu.memory_space<vmem>> -> memref<125xi32, #tpu.memory_space<vmem>>
      %dma_wait3A_63 = arith.constant 0 : i32
      %dma_wait3A_64 = arith.constant 0 : i32
      %dma_wait3A_65 = tpu.memref_slice %arg2[%dma_wait3A_63, %dma_wait3A_64] : memref<10000x128xf32, #tpu.memory_space<hbm>> -> memref<10000x128xf32, #tpu.memory_space<hbm>>
      tpu.wait_indirect_dma semaphore(%arg10 : memref<!tpu.dma_semaphore, #tpu.memory_space<semaphore_mem>>) src(%dma_wait3A_65 : memref<10000x128xf32, #tpu.memory_space<hbm>>) dst(%arg7 : memref<125x128xf32, #tpu.memory_space<vmem>>)
      "tpu.region"() ({
        %run_scoped3A_78 = tpu.sem_alloc : memref<!tpu.dma_semaphore, #tpu.memory_space<semaphore_mem>>
        %dma_start3A_79 = arith.constant 0 : i32
        %dma_start3A_80 = tpu.memref_slice %arg6[%mul3A_52, %dma_start3A_79] : memref<40x125xi32, #tpu.memory_space<vmem>> -> memref<1x125xi32, #tpu.memory_space<vmem>>
        %dma_start3A_81 = tpu.memref_squeeze %dma_start3A_80 : memref<1x125xi32, #tpu.memory_space<vmem>> -> memref<125xi32, #tpu.memory_space<vmem>>
        %dma_start3A_82 = arith.constant 0 : i32
        %dma_start3A_83 = arith.constant 0 : i32
        %dma_start3A_84 = tpu.memref_slice %arg9[%dma_start3A_82, %dma_start3A_83] : memref<10112x128xf32, #tpu.memory_space<vmem_shared>> -> memref<10112x128xf32, #tpu.memory_space<vmem_shared>>
        tpu.enqueue_indirect_dma source(%arg7 : memref<125x128xf32, #tpu.memory_space<vmem>>) target(%dma_start3A_84 : memref<10112x128xf32, #tpu.memory_space<vmem_shared>>) offsets(%dma_start3A_81 : memref<125xi32, #tpu.memory_space<vmem>>) semaphore(%run_scoped3A_78 : memref<!tpu.dma_semaphore, #tpu.memory_space<semaphore_mem>>) {add = true}
        %dma_wait3A_85 = arith.constant 0 : i32
        %dma_wait3A_86 = tpu.memref_slice %arg6[%mul3A_52, %dma_wait3A_85] : memref<40x125xi32, #tpu.memory_space<vmem>> -> memref<1x125xi32, #tpu.memory_space<vmem>>
        %dma_wait3A_87 = tpu.memref_squeeze %dma_wait3A_86 : memref<1x125xi32, #tpu.memory_space<vmem>> -> memref<125xi32, #tpu.memory_space<vmem>>
        %dma_wait3A_88 = arith.constant 0 : i32
        %dma_wait3A_89 = arith.constant 0 : i32
        %dma_wait3A_90 = tpu.memref_slice %arg9[%dma_wait3A_88, %dma_wait3A_89] : memref<10112x128xf32, #tpu.memory_space<vmem_shared>> -> memref<10112x128xf32, #tpu.memory_space<vmem_shared>>
        tpu.wait_indirect_dma semaphore(%run_scoped3A_78 : memref<!tpu.dma_semaphore, #tpu.memory_space<semaphore_mem>>) src(%arg7 : memref<125x128xf32, #tpu.memory_space<vmem>>) dst(%dma_wait3A_90 : memref<10112x128xf32, #tpu.memory_space<vmem_shared>>)
        tpu.yield
      }) : () -> ()
      %lt3A = arith.constant 19 : i32
      %lt3A_66 = arith.cmpi slt, %scan3A_50, %lt3A : i32
      %convert_element_type3A = arith.extui %lt3A_66 : i1 to i32
      %cond3A = arith.constant 0 : i32
      %cond3A_67 = arith.cmpi ne, %convert_element_type3A, %cond3A : i32
      scf.if %cond3A_67 {
        %add3A_78 = arith.constant 2 : i32
        %add3A_79 = arith.addi %mul3A_52, %add3A_78 : i32
        %dma_start3A_80 = arith.constant 0 : i32
        %dma_start3A_81 = tpu.memref_slice %arg5[%add3A_79, %dma_start3A_80] : memref<40x125xi32, #tpu.memory_space<vmem>> -> memref<1x125xi32, #tpu.memory_space<vmem>>
        %dma_start3A_82 = tpu.memref_squeeze %dma_start3A_81 : memref<1x125xi32, #tpu.memory_space<vmem>> -> memref<125xi32, #tpu.memory_space<vmem>>
        %dma_start3A_83 = arith.constant 0 : i32
        %dma_start3A_84 = arith.constant 0 : i32
        %dma_start3A_85 = tpu.memref_slice %arg2[%dma_start3A_83, %dma_start3A_84] : memref<10000x128xf32, #tpu.memory_space<hbm>> -> memref<10000x128xf32, #tpu.memory_space<hbm>>
        tpu.enqueue_indirect_dma source(%dma_start3A_85 : memref<10000x128xf32, #tpu.memory_space<hbm>>) target(%arg7 : memref<125x128xf32, #tpu.memory_space<vmem>>) offsets(%dma_start3A_82 : memref<125xi32, #tpu.memory_space<vmem>>) semaphore(%arg10 : memref<!tpu.dma_semaphore, #tpu.memory_space<semaphore_mem>>)
      } else {
      }
      %add3A_68 = arith.constant 1 : i32
      %add3A_69 = arith.addi %mul3A_52, %add3A_68 : i32
      %dma_wait3A_70 = arith.constant 0 : i32
      %dma_wait3A_71 = tpu.memref_slice %arg5[%add3A_69, %dma_wait3A_70] : memref<40x125xi32, #tpu.memory_space<vmem>> -> memref<1x125xi32, #tpu.memory_space<vmem>>
      %dma_wait3A_72 = tpu.memref_squeeze %dma_wait3A_71 : memref<1x125xi32, #tpu.memory_space<vmem>> -> memref<125xi32, #tpu.memory_space<vmem>>
      %dma_wait3A_73 = arith.constant 0 : i32
      %dma_wait3A_74 = arith.constant 0 : i32
      %dma_wait3A_75 = tpu.memref_slice %arg2[%dma_wait3A_73, %dma_wait3A_74] : memref<10000x128xf32, #tpu.memory_space<hbm>> -> memref<10000x128xf32, #tpu.memory_space<hbm>>
      tpu.wait_indirect_dma semaphore(%arg11 : memref<!tpu.dma_semaphore, #tpu.memory_space<semaphore_mem>>) src(%dma_wait3A_75 : memref<10000x128xf32, #tpu.memory_space<hbm>>) dst(%arg8 : memref<125x128xf32, #tpu.memory_space<vmem>>)
      %add3A_76 = arith.constant 1 : i32
      %add3A_77 = arith.addi %mul3A_52, %add3A_76 : i32
      "tpu.region"() ({
        %run_scoped3A_78 = tpu.sem_alloc : memref<!tpu.dma_semaphore, #tpu.memory_space<semaphore_mem>>
        %dma_start3A_79 = arith.constant 0 : i32
        %dma_start3A_80 = tpu.memref_slice %arg6[%add3A_77, %dma_start3A_79] : memref<40x125xi32, #tpu.memory_space<vmem>> -> memref<1x125xi32, #tpu.memory_space<vmem>>
        %dma_start3A_81 = tpu.memref_squeeze %dma_start3A_80 : memref<1x125xi32, #tpu.memory_space<vmem>> -> memref<125xi32, #tpu.memory_space<vmem>>
        %dma_start3A_82 = arith.constant 0 : i32
        %dma_start3A_83 = arith.constant 0 : i32
        %dma_start3A_84 = tpu.memref_slice %arg9[%dma_start3A_82, %dma_start3A_83] : memref<10112x128xf32, #tpu.memory_space<vmem_shared>> -> memref<10112x128xf32, #tpu.memory_space<vmem_shared>>
        tpu.enqueue_indirect_dma source(%arg8 : memref<125x128xf32, #tpu.memory_space<vmem>>) target(%dma_start3A_84 : memref<10112x128xf32, #tpu.memory_space<vmem_shared>>) offsets(%dma_start3A_81 : memref<125xi32, #tpu.memory_space<vmem>>) semaphore(%run_scoped3A_78 : memref<!tpu.dma_semaphore, #tpu.memory_space<semaphore_mem>>) {add = true}
        %dma_wait3A_85 = arith.constant 0 : i32
        %dma_wait3A_86 = tpu.memref_slice %arg6[%add3A_77, %dma_wait3A_85] : memref<40x125xi32, #tpu.memory_space<vmem>> -> memref<1x125xi32, #tpu.memory_space<vmem>>
        %dma_wait3A_87 = tpu.memref_squeeze %dma_wait3A_86 : memref<1x125xi32, #tpu.memory_space<vmem>> -> memref<125xi32, #tpu.memory_space<vmem>>
        %dma_wait3A_88 = arith.constant 0 : i32
        %dma_wait3A_89 = arith.constant 0 : i32
        %dma_wait3A_90 = tpu.memref_slice %arg9[%dma_wait3A_88, %dma_wait3A_89] : memref<10112x128xf32, #tpu.memory_space<vmem_shared>> -> memref<10112x128xf32, #tpu.memory_space<vmem_shared>>
        tpu.wait_indirect_dma semaphore(%run_scoped3A_78 : memref<!tpu.dma_semaphore, #tpu.memory_space<semaphore_mem>>) src(%arg8 : memref<125x128xf32, #tpu.memory_space<vmem>>) dst(%dma_wait3A_90 : memref<10112x128xf32, #tpu.memory_space<vmem_shared>>)
        tpu.yield
      }) : () -> ()
    }
    %scan3A_48 = arith.constant 20 : i32
    %barrier3A_49 = arith.constant 0 : index
    tpu.barrier barrier_id(%barrier3A_49)
    "tpu.region"() ({
      %run_scoped3A_50 = tpu.sem_alloc : memref<!tpu.dma_semaphore, #tpu.memory_space<semaphore_mem>>
      %dma_start3A_51 = arith.constant 0 : i32
      %dma_start3A_52 = tpu.memref_slice %arg4[%arg0, %mul3A_8, %dma_start3A_51] : memref<2x10112x128xf32, #tpu.memory_space<hbm>> -> memref<1x632x128xf32, #tpu.memory_space<hbm>>
      %dma_start3A_53 = tpu.memref_squeeze %dma_start3A_52 : memref<1x632x128xf32, #tpu.memory_space<hbm>> -> memref<632x128xf32, #tpu.memory_space<hbm>>
      %dma_start3A_54 = arith.constant 0 : i32
      %dma_start3A_55 = tpu.memref_slice %arg9[%mul3A_8, %dma_start3A_54] : memref<10112x128xf32, #tpu.memory_space<vmem_shared>> -> memref<632x128xf32, #tpu.memory_space<vmem_shared>>
      tpu.enqueue_dma source(%dma_start3A_55 : memref<632x128xf32, #tpu.memory_space<vmem_shared>>) target(%dma_start3A_53 : memref<632x128xf32, #tpu.memory_space<hbm>>) target_semaphore(%run_scoped3A_50 : memref<!tpu.dma_semaphore, #tpu.memory_space<semaphore_mem>>)
      %dma_wait3A = arith.constant 0 : i32
      %dma_wait3A_56 = tpu.memref_slice %arg4[%arg0, %mul3A_8, %dma_wait3A] : memref<2x10112x128xf32, #tpu.memory_space<hbm>> -> memref<1x632x128xf32, #tpu.memory_space<hbm>>
      %dma_wait3A_57 = tpu.memref_squeeze %dma_wait3A_56 : memref<1x632x128xf32, #tpu.memory_space<hbm>> -> memref<632x128xf32, #tpu.memory_space<hbm>>
      %dma_wait3A_58 = arith.constant 0 : i32
      %dma_wait3A_59 = tpu.memref_slice %arg9[%mul3A_8, %dma_wait3A_58] : memref<10112x128xf32, #tpu.memory_space<vmem_shared>> -> memref<632x128xf32, #tpu.memory_space<vmem_shared>>
      tpu.wait_dma2 semaphore(%run_scoped3A_50 : memref<!tpu.dma_semaphore, #tpu.memory_space<semaphore_mem>>) src(%dma_wait3A_59 : memref<632x128xf32, #tpu.memory_space<vmem_shared>>) dst(%dma_wait3A_57 : memref<632x128xf32, #tpu.memory_space<hbm>>)
      tpu.yield
    }) : () -> ()
    return
  }
}

</mosaic_0001>

<sc_bundles>
// kernel: _sc_aggregate.3.cloned.1.call-start
scs
__scs_entry_jumppad:
0x0: {  	(pc) =	sbr.rel $0x88, $3  }
0x1: {  	(tag) =	ssettag $0x0;
	lr =	simm.s32 $0x1  }
0x2: {  	[smem:$0x3F9F] =	sst lr;
	_ =	strace $0xD0000000  }
0x3: {  	_ = 	snop  }
0x4: {  	_ = 	snop  }
0x5: {  	_ = 	snop  }
0x6: {  	_ = 	snop  }
0x7: {  	_ = 	snop  }
__scs_overlays_trampoline_lowered:
0x8: {  	[smem:$0x3FAE] =	sst s0  }
0x9: {  	[smem:$0x3FAF] =	sst s1  }
0xa: {  	[smem:$0x3FB0] =	sst s2  }
0xb: {  	[smem:$0x3FB1] =	sst s3  }
0xc: {  	[smem:$0x3FB2] =	sst s4  }
0xd: {  	[smem:$0x3FB3] =	sst s5  }
0xe: {  	[smem:$0x3FB4] =	sst s6  }
0xf: {  	[smem:$0x3FB5] =	sst s7  }
0x10: {  	[smem:$0x3FB6] =	sst s8  }
0x11: {  	[smem:$0x3FB7] =	sst s9;
	s0 =	simm.s32 @!p0 $0x0  }
0x12: {  	s1 =	sld [smem:$0x3F9D];
	s0 =	simm.s32 @p0 $0x1  }
0x13: {  	[smem:$0x3FB8] =	sst s0;
	s0 =	simm.s32 @!p1 $0x0  }
0x14: {  	s2 =	sld [smem:$0x3F9C];
	s0 =	simm.s32 @p1 $0x1  }
0x15: {  	[smem:$0x3FB9] =	sst s0;
	s0 =	simm.s32 @!p2 $0x0  }
0x16: {  	s3 =	sld [smem:$0x3FDB];
	s0 =	simm.s32 @p2 $0x1  }
0x17: {  	s4 =	simm.s32 $0x1BF5;
	[smem:$0x3FBB] =	sst s0  }
0x18: {  	s0 =	sld [smem:$0x3F9E];
	_ =	swait.ge [sflag:s4], $0x0  }
0x19: {  	s7 =	sld [smem:$0x3F9F]  }
0x1a: {  	s8 =	sadd.s32 $0xFFFFE003, lr  }
0x1b: {  	s9 =	sadd.s32 $0xFFFFFEF7, lr;
	s5 =	simm.s32 $0xFFFFFFFF;
	p2 =	slt.u32 s8, $0xFFFFF086  }
0x1c: {  	p1 =	slt.u32 s9, $0xF7A;
	s5 =	simm.s32 @!p2 $0x0  }
0x1d: {  	s5 =	simm.s32 @p1 $0x1;
	p0 =	seq.s32 s7, s2  }
0x1e: {  	s7 =	smul.u32 @!p0 $0xF7A, s2;
	p2 =	seq.s32 @!p0 s5, $0x0  }
0x1f: {  	s9 =	smul.u32 $0xF7A, s1;
	s8 =	simm.s32 @!p0 $0x1BF5;
	p2 =	por !p2, p0  }
0x20: {  	[sflag:s8] =	ssyncset.s32 @!p0 $0xFFFFF086;
	s6 =	sadd.s32 @!p0 s3, s7;
	s7 =	simm.s32 @!p0 $0x108  }
0x21: {  	s3 =	sadd.s32 s3, s9;
	s6 =	sadd.s32 @!p0 $0x88, s6;
	s7 =	simm.s32 @p2 $0x1082  }
0x22: {  	[simem:s7], [sflag:s8] =	dma.local @!p0 [hbm:s6], $0xF7A  }
0x23: {  	s9 =	sor.u32 $0xD0000000, s2;
	s6 =	simm.s32 $0x108;
	_ =	swait.ge @!p0 [sflag:s8], $0x0  }
0x24: {  	s3 =	sadd.s32 $0x88, s3;
	s6 =	simm.s32 @!p1 $0x1082;
	[sflag:s4] =	ssyncset.s32 $0xFFFFF086  }
0x25: {  	[simem:s6], [sflag:s4] =	dma.local [hbm:s3], $0xF7A  }
0x26: {  	[smem:$0x3F9F] =	sst s1;
	(tag) =	ssettag s2;
	_ =	strace s9  }
0x27: {  	s1 =	sld [smem:$0x3FAF]  }
0x28: {  	s2 =	sld [smem:$0x3FB0]  }
0x29: {  	s4 =	sld [smem:$0x3FB2]  }
0x2a: {  	p0 =	seq.s32 s5, $0x0;
	s5 =	sld [smem:$0x3FB3]  }
0x2b: {  	s6 =	sld [smem:$0x3FB4]  }
0x2c: {  	s7 =	sld [smem:$0x3FB5]  }
0x2d: {  	s3 =	simm.s32 $0x108;
	s8 =	sld [smem:$0x3FB6]  }
0x2e: {  	s3 =	simm.s32 @!p0 $0x1082;
	s9 =	sld [smem:$0x3FB7]  }
0x2f: {  	lr =	sadd.s32 s0, s3;
	s0 =	sld [smem:$0x3FAE]  }
0x30: {  	s3 =	sld [smem:$0x3FB1]  }
0x31: {  	[smem:$0x3FBA] =	sst s10  }
0x32: {  	s10 =	sld [smem:$0x3FB8];
	_ =	sdelay $0x3  }
0x33: {  	p0 =	seq.s32 s10, $0x1;
	s10 =	sld [smem:$0x3FBA];
	_ =	sdelay $0x3  }
0x34: {  	[smem:$0x3FBA] =	sst s10  }
0x35: {  	s10 =	sld [smem:$0x3FB9];
	_ =	sdelay $0x3  }
0x36: {  	p1 =	seq.s32 s10, $0x1;
	s10 =	sld [smem:$0x3FBA];
	_ =	sdelay $0x3  }
0x37: {  	[smem:$0x3FBA] =	sst s10  }
0x38: {  	s10 =	sld [smem:$0x3FBB]  }
0x39: {  	_ = 	snop;
	(pc) =	sbr.ind lr, $3  }
0x3a: {  	_ = 	snop  }
0x3b: {  	_ = 	snop  }
0x3c: {  	p2 =	seq.s32 s10, $0x1;
	s10 =	sld [smem:$0x3FBA]  }
0x3d: {  	_ =	shalt  }
0x3e: {  	_ =	shalt  }
0x3f: {  	_ =	shalt  }
0x40: {  	_ =	shalt  }
0x41: {  	_ =	shalt  }
0x42: {  	_ =	shalt  }
0x43: {  	_ =	shalt  }
0x44: {  	_ =	shalt  }
0x45: {  	_ =	shalt  }
0x46: {  	_ =	shalt  }
0x47: {  	_ =	shalt  }
0x48: {  	_ =	shalt  }
0x49: {  	_ =	shalt  }
0x4a: {  	_ =	shalt  }
0x4b: {  	_ =	shalt  }
0x4c: {  	_ =	shalt  }
0x4d: {  	_ =	shalt  }
0x4e: {  	_ =	shalt  }
0x4f: {  	_ =	shalt  }
0x50: {  	_ =	shalt  }
0x51: {  	_ =	shalt  }
0x52: {  	_ =	shalt  }
0x53: {  	_ =	shalt  }
0x54: {  	_ =	shalt  }
0x55: {  	_ =	shalt  }
0x56: {  	_ =	shalt  }
0x57: {  	_ =	shalt  }
0x58: {  	_ =	shalt  }
0x59: {  	_ =	shalt  }
0x5a: {  	_ =	shalt  }
0x5b: {  	_ =	shalt  }
0x5c: {  	_ =	shalt  }
0x5d: {  	_ =	shalt  }
0x5e: {  	_ =	shalt  }
0x5f: {  	_ =	shalt  }
0x60: {  	_ =	shalt  }
0x61: {  	_ =	shalt  }
0x62: {  	_ =	shalt  }
0x63: {  	_ =	shalt  }
0x64: {  	_ =	shalt  }
0x65: {  	_ =	shalt  }
0x66: {  	_ =	shalt  }
0x67: {  	_ =	shalt  }
0x68: {  	_ =	shalt  }
0x69: {  	_ =	shalt  }
0x6a: {  	_ =	shalt  }
0x6b: {  	_ =	shalt  }
0x6c: {  	_ =	shalt  }
0x6d: {  	_ =	shalt  }
0x6e: {  	_ =	shalt  }
0x6f: {  	_ =	shalt  }
0x70: {  	_ =	shalt  }
0x71: {  	_ =	shalt  }
0x72: {  	_ =	shalt  }
0x73: {  	_ =	shalt  }
0x74: {  	_ =	shalt  }
0x75: {  	_ =	shalt  }
0x76: {  	_ =	shalt  }
0x77: {  	_ =	shalt  }
0x78: {  	_ =	shalt  }
0x79: {  	_ =	shalt  }
0x7a: {  	_ =	shalt  }
0x7b: {  	_ =	shalt  }
0x7c: {  	_ =	shalt  }
0x7d: {  	_ =	shalt  }
0x7e: {  	_ =	shalt  }
0x7f: {  	_ =	shalt  }
0x80: {  	_ =	shalt  }
0x81: {  	_ =	shalt  }
0x82: {  	_ =	shalt  }
0x83: {  	_ =	shalt  }
0x84: {  	_ =	shalt  }
0x85: {  	_ =	shalt  }
0x86: {  	_ =	shalt  }
0x87: {  	_ =	shalt  }
.Lfunc_end0:
.L_simem_size_0:
called_computation_lowered:
.L_overlay_start_0:
0x88: {  	s2 =	sld [smem:$0x3FD9]  }
0x89: {  	s3 =	sld [smem:$0x3FFE];
	_ =	sdelay $0x1  }
0x8a: {  	s1 =	srdreg.scid  }
0x8b: {  	s0 =	sand.u32 $0x1, s1  }
0x8c: {  	s18 =	sshll.u32 s0, $0xA;
	s2 =	sadd.s32 s3, s2  }
0x8d: {  	s2 =	sadd.s32 s2, s18  }
0x8e: {  	[smem:$0x3FC6] =	sst s2  }
0x8f: {  	_ = 	snop  }
0x90: {  	s2 =	sld [smem:$0x3FC9]  }
0x91: {  	s19 =	sld [smem:$0x3FC8]  }
0x92: {  	s4 =	sld [smem:$0x3FD0];
	(tm) =	ssettm $0x1  }
0x93: {  	s5 =	sld [smem:$0x3FFB];
	_ =	sdelay $0x3  }
0x94: {  	_ =	strace s5  }
0x95: {  	s5 =	sld [smem:$0x3FFC];
	_ =	sdelay $0x3  }
0x96: {  	_ =	strace s5  }
0x97: {  	s5 =	sld [smem:$0x3FFD];
	_ =	sdelay $0x3  }
0x98: {  	_ =	strace s5  }
0x99: {  	_ =	strace $0x8FFFFFFF  }
0x9a: {  	s20 =	sld [smem:$0x3FDB];
	_ =	sdelay $0x1  }
0x9b: {  	s6 =	simm.s32 $_scs_section_size  }
0x9c: {  	s7 =	simm.s32 $_size__tile_overlayer_lowered;
	s8 =	simm.s32 $_tile_overlayer_lowered  }
0x9d: {  	s23 =	simm.s32 $0x1BFF;
	s22 =	sshll.u32 s8, $0x1;
	s5 =	sadd.s32 s6, s20  }
0x9e: {  	s9 =	simm.s32 $0x0;
	s21 =	sshll.u32 s7, $0x1;
	s7 =	sadd.s32 s22, s5  }
0x9f: {  	[timem:s9], [sflag:s23] =	dma.local [hbm:s7], s21  }
0xa0: {  	_ =	swait.ge [sflag:s23], s21  }
0xa1: {  	s6 =	ssub.s32 $0x0, s21;
	[sflag:s23] =	ssyncset.done $0x0  }
0xa2: {  	[sflag:s23] =	ssyncadd.s32 s6;
	_ =	sdelay $0x1  }
0xa3: {  	s24 =	simm.s32 $0x1B8B  }
0xa4: {  	_ =	swait.ge [sflag:s24], $0x1  }
0xa5: {  	[sflag:s24] =	ssyncset.done $0x0  }
0xa6: {  	s25 =	simm.s32 $0x1B8E;
	[sflag:s24] =	ssyncadd.s32 $0xFFFFFFFF  }
0xa7: {  	s26 =	simm.s32 $execute0_lowered;
	[smem:$0x3FD2] =	sst s25  }
0xa8: {  	s6 =	sshll.u32 s26, $0x1;
	_ =	strace $0x80000046;
	[dreg:$0x1] =	wrdreg $0xFFFFFFFF  }
0xa9: {  	s28 =	simm.s32 $_size_execute0_lowered;
	s5 =	sadd.s32 s5, s6;
	[dreg:$0x0] =	wrdreg $0x0  }
0xaa: {  	s6 =	sshll.u32 s28, $0x1;
	[dreg:$0x2] =	wrdreg s5  }
0xab: {  	[dreg:$0x3] =	wrdreg s6  }
0xac: {  	[dreg:$0x4] =	wrdreg $0xC0  }
0xad: {  	_ =	task [dreg:s9], $0x5FFFF  }
0xae: {  	[dreg:$0x1] =	wrdreg $0xFFFFFFFF  }
0xaf: {  	[dreg:$0x0] =	wrdreg $0x60  }
0xb0: {  	[dreg:$0x2] =	wrdreg s2  }
0xb1: {  	[dreg:$0x3] =	wrdreg s19  }
0xb2: {  	[dreg:$0x4] =	wrdreg s4  }
0xb3: {  	[dreg:$0x5] =	wrdreg $0xA8000  }
0xb4: {  	[dreg:$0x6] =	wrdreg $0x9  }
0xb5: {  	_ =	task.clear_ibuf [dreg:s9], $0x7FFFF;
	_ =	strace $0x90000046  }
0xb6: {  	s29 =	simm.s32 $0x9;
	_ =	strace $0x80000048  }
0xb7: {  	_ =	swait.ge [sflag:s29], $0x1  }
0xb8: {  	[sflag:s29] =	ssyncadd.s32 $0xFFFFFFFF  }
0xb9: {  	_ =	strace $0x90000048  }
0xba: {  	_ =	sfence  }
0xbb: {  	s30 =	sld [smem:$0x0];
	_ =	sdelay $0x2  }
0xbc: {  	s31 =	sshll.u32 s1, $0xD;
	s1 =	sshrl.u32 s1, $0x2  }
0xbd: {  	s3 =	sand.u32 $0x4000, s31;
	s1 =	sadd.s32 s1, s30  }
0xbe: {  	s0 =	sor.u32 s3, s0;
	s1 =	sshll.u32 s1, $0x11  }
0xbf: {  	s0 =	sor.u32 s1, s0  }
0xc0: {  	s0 =	sadd.s32 $0x8F2B, s0  }
0xc1: {  	[sflag:s0] =	ssyncadd.remote.s32 $0x1  }
0xc2: {  	_ =	sfence.sel $0xFFFF  }
0xc3: {  	[dreg:$0x0] =	wrdreg $0xFFFFFFFF;
	(pc) =	sbr.abs _section_cstart, $3  }
0xc4: {  	[dreg:$0x1] =	wrdreg $0xFFFFFFFF  }
0xc5: {  	_ =	task.clear_ibuf [dreg:s9], $0x2FFFF;
	_ =	strace $0x9FFFFFFF  }
0xc6: {  	(tm) =	ssettm $0x7FFFFFFF  }
0xc7: {  	_ =	shalt  }
tec
execute0_lowered:
.L_overlay_start_1:
0x0: {  	(tag) =	ssettag $0x1  }
0x1: {  	s1 =	rddreg [dreg:$0x0]  }
0x2: {  	s10 =	rddreg [dreg:$0x1]  }
0x3: {  	s15 =	rddreg [dreg:$0x2]  }
0x4: {  	s3 =	rddreg [dreg:$0x3];
	s4 =	simm.s32 $0x0;
	s2 =	stileid.u32  }
0x5: {  	s5 =	srdreg.scid;
	s18 =	simm.s32 $0x3;
	s19 =	simm.s32 $0x1400  }
0x6: {  	s20 =	simm.s32 $0x7D;
	s21 =	simm.s32 $0x6800;
	s22 =	simm.s32 $0x1  }
0x7: {  	s23 =	simm.s32 $0x2;
	s24 =	simm.s32 $0x1380;
	s25 =	simm.s32 $0x2700  }
0x8: {  	s26 =	simm.s32 $0x2780;
	[smem:$0x7FF] =	sst s4;
	s6 =	smul.u32 $0x4F000, s2  }
0x9: {  	s7 =	sand.u32 $0x1, s5;
	s29 =	sshll.u32 s2, $0x1;
	s14 =	smul.u32 $0x13C00, s2  }
0xa: {  	_ =	strace $0x80000047;
	s8 =	ssub.s32 $0x2, s7;
	s9 =	sor.u32 s7, s29  }
0xb: {  	s13 =	smul.u32 $0x13C000, s7;
	s30 =	sshrl.u32 s6, $0x2;
	s31 =	sshrl.u32 s8, $0x1  }
0xc: {  	s9 =	smul.u32 $0x2800, s9;
	s5 =	sadd.s32 s30, s3;
	s16 =	ssub.s32 s8, s31  }
0xd: {  	s17 =	sadd.s32 s14, s13;
	s6 =	sadd.s32 $0x3C00, s5;
	s7 =	sadd.s32 $0x7800, s5  }
0xe: {  	s11 =	sshrl.u32 s9, $0x3;
	s8 =	sadd.s32 $0xB400, s5;
	s9 =	sadd.s32 $0xF000, s5  }
0xf: {  	s17 =	sshrl.u32 s17, $0x3;
	s16 =	smax.u32 s16, $0x1;
	s10 =	sadd.s32 s10, s11  }
0x10: {  	s11 =	sadd.s32 $0x12C00, s5;
	s15 =	sadd.s32 s15, s17;
	s17 =	simm.s32 $0x2800  }
0x11: {  	v0 =	vimm.f32 $0.0e+00;
	s12 =	sadd.s32 $0xA000, s10;
	s13 =	sadd.s32 $0x280, s10;
	s14 =	sadd.s32 $0xA280, s10  }
.LBB2_1:
0x12: {  	s28 =	simm.s32 $0x0;
	s29 =	simm.s32 $0x200  }
.LBB2_2:
0x13: {  	p0 =	sne.s32 s29, $0xEE00;
	[tilespmem:s28+$0x2870] =	vst v0  }
0x14: {  	[tilespmem:s28+$0x2800] =	vst v0  }
0x15: {  	[tilespmem:s28+$0x2810] =	vst v0  }
.Ltmp0:
0x16: {  	[tilespmem:s28+$0x2820] =	vst v0;
	(pc) =	sbr.rel @p0 .LBB2_2-.Ltmp0, $4  }
0x17: {  	[tilespmem:s28+$0x2830] =	vst v0  }
0x18: {  	[tilespmem:s28+$0x2840] =	vst v0  }
0x19: {  	[tilespmem:s28+$0x2850] =	vst v0  }
0x1a: {  	[tilespmem:s28+$0x2860] =	vst v0;
	s28 =	sshra.s32 s29, $0x2;
	s29 =	sadd.s32 $0x200, s29  }
0x1b: {  	[tilespmem:s28+$0x2870] =	vst v0  }
0x1c: {  	[tilespmem:s28+$0x2800] =	vst v0  }
0x1d: {  	[tilespmem:s28+$0x2810] =	vst v0  }
0x1e: {  	[tilespmem:s28+$0x2820] =	vst v0  }
0x1f: {  	[tilespmem:s28+$0x2830] =	vst v0  }
0x20: {  	[tilespmem:s28+$0x2840] =	vst v0  }
0x21: {  	[tilespmem:s28+$0x2850] =	vst v0  }
0x22: {  	[tilespmem:s28+$0x2860] =	vst v0  }
0x23: {  	[spmem:s5] =	stream.linear.scatter [tilespmem:s17], [sflag:$0x3], $0x3C00, $0x38;
	[tilespmem:$0x1E400] =	vst v63  }
0x24: {  	_ =	swait.ge [sflag:s18], $0x3C00  }
0x25: {  	[sflag:s18] =	ssyncset.done $0x0  }
0x26: {  	[sflag:s18] =	ssyncadd.s32 $0xFFFFC400  }
0x27: {  	[spmem:s6] =	stream.linear.scatter [tilespmem:s17], [sflag:$0x3], $0x3C00, $0x38;
	[tilespmem:$0x1E400] =	vst v63  }
0x28: {  	_ =	swait.ge [sflag:s18], $0x3C00  }
0x29: {  	[sflag:s18] =	ssyncset.done $0x0  }
0x2a: {  	[sflag:s18] =	ssyncadd.s32 $0xFFFFC400  }
0x2b: {  	[spmem:s7] =	stream.linear.scatter [tilespmem:s17], [sflag:$0x3], $0x3C00, $0x38;
	[tilespmem:$0x1E400] =	vst v63  }
0x2c: {  	_ =	swait.ge [sflag:s18], $0x3C00  }
0x2d: {  	[sflag:s18] =	ssyncset.done $0x0  }
0x2e: {  	[sflag:s18] =	ssyncadd.s32 $0xFFFFC400  }
0x2f: {  	[spmem:s8] =	stream.linear.scatter [tilespmem:s17], [sflag:$0x3], $0x3C00, $0x38;
	[tilespmem:$0x1E400] =	vst v63  }
0x30: {  	_ =	swait.ge [sflag:s18], $0x3C00  }
0x31: {  	[sflag:s18] =	ssyncset.done $0x0  }
0x32: {  	[sflag:s18] =	ssyncadd.s32 $0xFFFFC400  }
0x33: {  	[spmem:s9] =	stream.linear.scatter [tilespmem:s17], [sflag:$0x3], $0x3C00, $0x38;
	[tilespmem:$0x1E400] =	vst v63  }
0x34: {  	_ =	swait.ge [sflag:s18], $0x3C00  }
0x35: {  	[sflag:s18] =	ssyncset.done $0x0  }
0x36: {  	[sflag:s18] =	ssyncadd.s32 $0xFFFFC400  }
0x37: {  	[spmem:s11] =	stream.linear.scatter [tilespmem:s17], [sflag:$0x3], $0x1000, $0x38;
	[tilespmem:$0x1E400] =	vst v63  }
0x38: {  	_ =	swait.ge [sflag:s18], $0x1000  }
0x39: {  	[sflag:s18] =	ssyncset.done $0x0  }
0x3a: {  	[sflag:s18] =	ssyncadd.s32 $0xFFFFF000  }
0x3b: {  	s28 =	simm.s32 $0x0;
	[bflag:$0x0] =	sbarrier.arrive $0xFFFF  }
0x3c: {  	[tilespmem:s28], [sflag:$0x3] =	stream.linear.gather [hbm4b:s10+s28], $0x1400, $0x38;
	[tilespmem:$0x1E400] =	vst v63  }
0x3d: {  	_ =	swait.ge [sflag:s18], $0x1400  }
0x3e: {  	[sflag:s18] =	ssyncset.done $0x0  }
0x3f: {  	[sflag:s18] =	ssyncadd.s32 $0xFFFFEC00  }
0x40: {  	[tilespmem:s19], [sflag:$0x3] =	stream.linear.gather [hbm4b:s12+s28], $0x1400, $0x38;
	[tilespmem:$0x1E400] =	vst v63  }
0x41: {  	_ =	swait.ge [sflag:s18], $0x1400  }
0x42: {  	[sflag:s18] =	ssyncset.done $0x0  }
0x43: {  	[sflag:s18] =	ssyncadd.s32 $0xFFFFEC00  }
0x44: {  	[tilespmem:s17], [sflag:$0x1] =	stream.indirect.gather [hbm4b:s1+s20], $0x80, s28, s20, $0xb8;
	[tilespmem:$0x1E400] =	vst v63  }
0x45: {  	s28 =	simm.s32 $0x80  }
0x46: {  	[tilespmem:s21], [sflag:$0x2] =	stream.indirect.gather [hbm4b:s1+s20], $0x80, s28, s20, $0xb8;
	[tilespmem:$0x1E400] =	vst v63  }
0x47: {  	_ =	swait.ge [sflag:s22], $0x3E80  }
0x48: {  	[sflag:s22] =	ssyncset.done $0x0  }
0x49: {  	s28 =	simm.s32 $0x1400;
	[sflag:s22] =	ssyncadd.s32 $0xFFFFC180  }
0x4a: {  	[spmem:s3] =	stream.indirect.scatter.add.f32 [tilespmem:s17], [sflag:$0x3], $0x80, s28, s20, $0xb8;
	[tilespmem:$0x1E400] =	vst v63  }
0x4b: {  	_ =	swait.ge [sflag:s18], $0x3E80  }
0x4c: {  	[sflag:s18] =	ssyncset.done $0x0  }
0x4d: {  	s28 =	simm.s32 $0x100;
	[sflag:s18] =	ssyncadd.s32 $0xFFFFC180  }
0x4e: {  	[tilespmem:s17], [sflag:$0x1] =	stream.indirect.gather [hbm4b:s1+s20], $0x80, s28, s20, $0xb8;
	[tilespmem:$0x1E400] =	vst v63  }
0x4f: {  	_ =	swait.ge [sflag:s23], $0x3E80  }
0x50: {  	[sflag:s23] =	ssyncset.done $0x0  }
0x51: {  	s28 =	simm.s32 $0x1480;
	[sflag:s23] =	ssyncadd.s32 $0xFFFFC180  }
0x52: {  	[spmem:s3] =	stream.indirect.scatter.add.f32 [tilespmem:s21], [sflag:$0x3], $0x80, s28, s20, $0xb8;
	[tilespmem:$0x1E400] =	vst v63  }
0x53: {  	_ =	swait.ge [sflag:s18], $0x3E80  }
0x54: {  	s29 =	simm.s32 $0x800;
	s28 =	simm.s32 $0x100;
	[sflag:s18] =	ssyncset.done $0x0  }
.LBB2_4:
0x55: {  	s30 =	sadd.s32 $0x80, s28  }
0x56: {  	[sflag:s18] =	ssyncadd.s32 $0xFFFFC180;
	s31 =	smov.u32 s29;
	s0 =	sadd.s32 $0x400, s29  }
0x57: {  	[tilespmem:s21], [sflag:$0x2] =	stream.indirect.gather [hbm4b:s1+s20], $0x80, s30, s20, $0xb8;
	[tilespmem:$0x1E400] =	vst v63  }
0x58: {  	p0 =	sne.s32 s29, $0x4800;
	_ =	swait.ge [sflag:s22], $0x3E80  }
0x59: {  	[sflag:s22] =	ssyncset.done $0x0  }
0x5a: {  	s29 =	sadd.s32 $0x1400, s28;
	[sflag:s22] =	ssyncadd.s32 $0xFFFFC180  }
0x5b: {  	[spmem:s3] =	stream.indirect.scatter.add.f32 [tilespmem:s17], [sflag:$0x3], $0x80, s29, s20, $0xb8;
	[tilespmem:$0x1E400] =	vst v63  }
0x5c: {  	_ =	swait.ge [sflag:s18], $0x3E80  }
0x5d: {  	[sflag:s18] =	ssyncset.done $0x0  }
0x5e: {  	s29 =	sadd.s32 $0x100, s28;
	[sflag:s18] =	ssyncadd.s32 $0xFFFFC180  }
0x5f: {  	[tilespmem:s17], [sflag:$0x1] =	stream.indirect.gather [hbm4b:s1+s20], $0x80, s29, s20, $0xb8;
	[tilespmem:$0x1E400] =	vst v63  }
0x60: {  	_ =	swait.ge [sflag:s23], $0x3E80  }
.Ltmp1:
0x61: {  	[sflag:s23] =	ssyncset.done $0x0;
	(pc) =	sbr.rel @p0 .LBB2_4-.Ltmp1, $4  }
0x62: {  	s28 =	sadd.s32 $0x1480, s28;
	[sflag:s23] =	ssyncadd.s32 $0xFFFFC180  }
0x63: {  	[spmem:s3] =	stream.indirect.scatter.add.f32 [tilespmem:s21], [sflag:$0x3], $0x80, s28, s20, $0xb8;
	[tilespmem:$0x1E400] =	vst v63  }
0x64: {  	_ =	swait.ge [sflag:s18], $0x3E80  }
0x65: {  	s29 =	smov.u32 s0;
	s28 =	sshra.s32 s31, $0x2;
	[sflag:s18] =	ssyncset.done $0x0  }
0x66: {  	s0 =	sadd.s32 $0x80, s28;
	[sflag:s18] =	ssyncadd.s32 $0xFFFFC180  }
0x67: {  	[tilespmem:s21], [sflag:$0x2] =	stream.indirect.gather [hbm4b:s1+s20], $0x80, s0, s20, $0xb8;
	[tilespmem:$0x1E400] =	vst v63  }
0x68: {  	_ =	swait.ge [sflag:s22], $0x3E80  }
0x69: {  	[sflag:s22] =	ssyncset.done $0x0  }
0x6a: {  	s30 =	sadd.s32 $0x1400, s28;
	[sflag:s22] =	ssyncadd.s32 $0xFFFFC180  }
0x6b: {  	[spmem:s3] =	stream.indirect.scatter.add.f32 [tilespmem:s17], [sflag:$0x3], $0x80, s30, s20, $0xb8;
	[tilespmem:$0x1E400] =	vst v63  }
0x6c: {  	_ =	swait.ge [sflag:s18], $0x3E80  }
0x6d: {  	[sflag:s18] =	ssyncset.done $0x0  }
0x6e: {  	s31 =	sadd.s32 $0x100, s28;
	[sflag:s18] =	ssyncadd.s32 $0xFFFFC180  }
0x6f: {  	[tilespmem:s17], [sflag:$0x1] =	stream.indirect.gather [hbm4b:s1+s20], $0x80, s31, s20, $0xb8;
	[tilespmem:$0x1E400] =	vst v63  }
0x70: {  	_ =	swait.ge [sflag:s23], $0x3E80  }
0x71: {  	[sflag:s23] =	ssyncset.done $0x0  }
0x72: {  	s30 =	sadd.s32 $0x1480, s28;
	[sflag:s23] =	ssyncadd.s32 $0xFFFFC180  }
0x73: {  	[spmem:s3] =	stream.indirect.scatter.add.f32 [tilespmem:s21], [sflag:$0x3], $0x80, s30, s20, $0xb8;
	[tilespmem:$0x1E400] =	vst v63  }
0x74: {  	_ =	swait.ge [sflag:s18], $0x3E80  }
0x75: {  	[sflag:s18] =	ssyncset.done $0x0  }
0x76: {  	[sflag:s18] =	ssyncadd.s32 $0xFFFFC180  }
0x77: {  	[tilespmem:s21], [sflag:$0x2] =	stream.indirect.gather [hbm4b:s1+s20], $0x80, s24, s20, $0xb8;
	[tilespmem:$0x1E400] =	vst v63  }
0x78: {  	_ =	swait.ge [sflag:s22], $0x3E80  }
0x79: {  	[sflag:s22] =	ssyncset.done $0x0  }
0x7a: {  	[sflag:s22] =	ssyncadd.s32 $0xFFFFC180  }
0x7b: {  	[spmem:s3] =	stream.indirect.scatter.add.f32 [tilespmem:s17], [sflag:$0x3], $0x80, s25, s20, $0xb8;
	[tilespmem:$0x1E400] =	vst v63  }
0x7c: {  	_ =	swait.ge [sflag:s18], $0x3E80  }
0x7d: {  	[sflag:s18] =	ssyncset.done $0x0  }
0x7e: {  	[sflag:s18] =	ssyncadd.s32 $0xFFFFC180  }
0x7f: {  	_ =	swait.ge [sflag:s23], $0x3E80  }
0x80: {  	[sflag:s23] =	ssyncset.done $0x0  }
0x81: {  	[sflag:s23] =	ssyncadd.s32 $0xFFFFC180  }
0x82: {  	[spmem:s3] =	stream.indirect.scatter.add.f32 [tilespmem:s21], [sflag:$0x3], $0x80, s26, s20, $0xb8;
	[tilespmem:$0x1E400] =	vst v63  }
0x83: {  	_ =	swait.ge [sflag:s18], $0x3E80  }
0x84: {  	[sflag:s18] =	ssyncset.done $0x0  }
0x85: {  	s31 =	simm.s32 $0x0;
	[sflag:s18] =	ssyncadd.s32 $0xFFFFC180  }
0x86: {  	[tilespmem:s31], [sflag:$0x3] =	stream.linear.gather [hbm4b:s13+s31], $0x1400, $0x38;
	[tilespmem:$0x1E400] =	vst v63  }
0x87: {  	_ =	swait.ge [sflag:s18], $0x1400  }
0x88: {  	[sflag:s18] =	ssyncset.done $0x0  }
0x89: {  	[sflag:s18] =	ssyncadd.s32 $0xFFFFEC00  }
0x8a: {  	[tilespmem:s19], [sflag:$0x3] =	stream.linear.gather [hbm4b:s14+s31], $0x1400, $0x38;
	[tilespmem:$0x1E400] =	vst v63  }
0x8b: {  	_ =	swait.ge [sflag:s18], $0x1400  }
0x8c: {  	[sflag:s18] =	ssyncset.done $0x0  }
0x8d: {  	[sflag:s18] =	ssyncadd.s32 $0xFFFFEC00  }
0x8e: {  	[tilespmem:s17], [sflag:$0x1] =	stream.indirect.gather [hbm4b:s1+s20], $0x80, s31, s20, $0xb8;
	[tilespmem:$0x1E400] =	vst v63  }
0x8f: {  	s30 =	simm.s32 $0x80  }
0x90: {  	[tilespmem:s21], [sflag:$0x2] =	stream.indirect.gather [hbm4b:s1+s20], $0x80, s30, s20, $0xb8;
	[tilespmem:$0x1E400] =	vst v63  }
0x91: {  	_ =	swait.ge [sflag:s22], $0x3E80  }
0x92: {  	[sflag:s22] =	ssyncset.done $0x0  }
0x93: {  	s31 =	simm.s32 $0x1400;
	[sflag:s22] =	ssyncadd.s32 $0xFFFFC180  }
0x94: {  	[spmem:s3] =	stream.indirect.scatter.add.f32 [tilespmem:s17], [sflag:$0x3], $0x80, s31, s20, $0xb8;
	[tilespmem:$0x1E400] =	vst v63  }
0x95: {  	_ =	swait.ge [sflag:s18], $0x3E80  }
0x96: {  	[sflag:s18] =	ssyncset.done $0x0  }
0x97: {  	s30 =	simm.s32 $0x100;
	[sflag:s18] =	ssyncadd.s32 $0xFFFFC180  }
0x98: {  	[tilespmem:s17], [sflag:$0x1] =	stream.indirect.gather [hbm4b:s1+s20], $0x80, s30, s20, $0xb8;
	[tilespmem:$0x1E400] =	vst v63  }
0x99: {  	_ =	swait.ge [sflag:s23], $0x3E80  }
0x9a: {  	[sflag:s23] =	ssyncset.done $0x0  }
0x9b: {  	s31 =	simm.s32 $0x1480;
	[sflag:s23] =	ssyncadd.s32 $0xFFFFC180  }
0x9c: {  	[spmem:s3] =	stream.indirect.scatter.add.f32 [tilespmem:s21], [sflag:$0x3], $0x80, s31, s20, $0xb8;
	[tilespmem:$0x1E400] =	vst v63  }
0x9d: {  	_ =	swait.ge [sflag:s18], $0x3E80  }
0x9e: {  	s29 =	simm.s32 $0x800;
	s28 =	simm.s32 $0x100;
	[sflag:s18] =	ssyncset.done $0x0  }
.LBB2_6:
0x9f: {  	s0 =	sadd.s32 $0x80, s28  }
0xa0: {  	[sflag:s18] =	ssyncadd.s32 $0xFFFFC180;
	s30 =	smov.u32 s29;
	s31 =	sadd.s32 $0x400, s29  }
0xa1: {  	[tilespmem:s21], [sflag:$0x2] =	stream.indirect.gather [hbm4b:s1+s20], $0x80, s0, s20, $0xb8;
	[tilespmem:$0x1E400] =	vst v63  }
0xa2: {  	p0 =	sne.s32 s29, $0x4800;
	_ =	swait.ge [sflag:s22], $0x3E80  }
0xa3: {  	[sflag:s22] =	ssyncset.done $0x0  }
0xa4: {  	s0 =	sadd.s32 $0x1400, s28;
	[sflag:s22] =	ssyncadd.s32 $0xFFFFC180  }
0xa5: {  	[spmem:s3] =	stream.indirect.scatter.add.f32 [tilespmem:s17], [sflag:$0x3], $0x80, s0, s20, $0xb8;
	[tilespmem:$0x1E400] =	vst v63  }
0xa6: {  	_ =	swait.ge [sflag:s18], $0x3E80  }
0xa7: {  	[sflag:s18] =	ssyncset.done $0x0  }
0xa8: {  	s0 =	sadd.s32 $0x100, s28;
	[sflag:s18] =	ssyncadd.s32 $0xFFFFC180  }
0xa9: {  	[tilespmem:s17], [sflag:$0x1] =	stream.indirect.gather [hbm4b:s1+s20], $0x80, s0, s20, $0xb8;
	[tilespmem:$0x1E400] =	vst v63  }
0xaa: {  	_ =	swait.ge [sflag:s23], $0x3E80  }
.Ltmp2:
0xab: {  	[sflag:s23] =	ssyncset.done $0x0;
	(pc) =	sbr.rel @p0 .LBB2_6-.Ltmp2, $4  }
0xac: {  	s0 =	sadd.s32 $0x1480, s28;
	[sflag:s23] =	ssyncadd.s32 $0xFFFFC180  }
0xad: {  	[spmem:s3] =	stream.indirect.scatter.add.f32 [tilespmem:s21], [sflag:$0x3], $0x80, s0, s20, $0xb8;
	[tilespmem:$0x1E400] =	vst v63  }
0xae: {  	_ =	swait.ge [sflag:s18], $0x3E80  }
0xaf: {  	s29 =	smov.u32 s31;
	s28 =	sshra.s32 s30, $0x2;
	[sflag:s18] =	ssyncset.done $0x0  }
0xb0: {  	s0 =	sadd.s32 $0x80, s28;
	[sflag:s18] =	ssyncadd.s32 $0xFFFFC180  }
0xb1: {  	[tilespmem:s21], [sflag:$0x2] =	stream.indirect.gather [hbm4b:s1+s20], $0x80, s0, s20, $0xb8;
	[tilespmem:$0x1E400] =	vst v63  }
0xb2: {  	_ =	swait.ge [sflag:s22], $0x3E80  }
0xb3: {  	[sflag:s22] =	ssyncset.done $0x0  }
0xb4: {  	s30 =	sadd.s32 $0x1400, s28;
	[sflag:s22] =	ssyncadd.s32 $0xFFFFC180  }
0xb5: {  	[spmem:s3] =	stream.indirect.scatter.add.f32 [tilespmem:s17], [sflag:$0x3], $0x80, s30, s20, $0xb8;
	[tilespmem:$0x1E400] =	vst v63  }
0xb6: {  	_ =	swait.ge [sflag:s18], $0x3E80  }
0xb7: {  	[sflag:s18] =	ssyncset.done $0x0  }
0xb8: {  	s31 =	sadd.s32 $0x100, s28;
	[sflag:s18] =	ssyncadd.s32 $0xFFFFC180  }
0xb9: {  	[tilespmem:s17], [sflag:$0x1] =	stream.indirect.gather [hbm4b:s1+s20], $0x80, s31, s20, $0xb8;
	[tilespmem:$0x1E400] =	vst v63  }
0xba: {  	_ =	swait.ge [sflag:s23], $0x3E80  }
0xbb: {  	[sflag:s23] =	ssyncset.done $0x0  }
0xbc: {  	s29 =	sadd.s32 $0x1480, s28;
	[sflag:s23] =	ssyncadd.s32 $0xFFFFC180  }
0xbd: {  	[spmem:s3] =	stream.indirect.scatter.add.f32 [tilespmem:s21], [sflag:$0x3], $0x80, s29, s20, $0xb8;
	[tilespmem:$0x1E400] =	vst v63  }
0xbe: {  	_ =	swait.ge [sflag:s18], $0x3E80  }
0xbf: {  	[sflag:s18] =	ssyncset.done $0x0  }
0xc0: {  	[sflag:s18] =	ssyncadd.s32 $0xFFFFC180  }
0xc1: {  	[tilespmem:s21], [sflag:$0x2] =	stream.indirect.gather [hbm4b:s1+s20], $0x80, s24, s20, $0xb8;
	[tilespmem:$0x1E400] =	vst v63  }
0xc2: {  	_ =	swait.ge [sflag:s22], $0x3E80  }
0xc3: {  	[sflag:s22] =	ssyncset.done $0x0  }
0xc4: {  	[sflag:s22] =	ssyncadd.s32 $0xFFFFC180  }
0xc5: {  	[spmem:s3] =	stream.indirect.scatter.add.f32 [tilespmem:s17], [sflag:$0x3], $0x80, s25, s20, $0xb8;
	[tilespmem:$0x1E400] =	vst v63  }
0xc6: {  	_ =	swait.ge [sflag:s18], $0x3E80  }
0xc7: {  	[sflag:s18] =	ssyncset.done $0x0  }
0xc8: {  	[sflag:s18] =	ssyncadd.s32 $0xFFFFC180  }
0xc9: {  	_ =	swait.ge [sflag:s23], $0x3E80  }
0xca: {  	[sflag:s23] =	ssyncset.done $0x0  }
0xcb: {  	[sflag:s23] =	ssyncadd.s32 $0xFFFFC180  }
0xcc: {  	[spmem:s3] =	stream.indirect.scatter.add.f32 [tilespmem:s21], [sflag:$0x3], $0x80, s26, s20, $0xb8;
	[tilespmem:$0x1E400] =	vst v63  }
0xcd: {  	_ =	swait.ge [sflag:s18], $0x3E80  }
0xce: {  	s4 =	sadd.s32 $0x1, s4;
	s30 =	sshll.u32 s2, $0x6;
	[sflag:s18] =	ssyncset.done $0x0  }
0xcf: {  	p0 =	sne.s32 s4, s16;
	s0 =	sor.u32 $0x1C03, s30;
	[sflag:s18] =	ssyncadd.s32 $0xFFFFC180  }
.Ltmp3:
0xd0: {  	s31 =	sshrl.u32 s5, $0x3;
	[bflag:$0x0] =	sbarrier.arrive $0xFFFF;
	(pc) =	sbr.rel @p0 .LBB2_1-.Ltmp3, $4  }
0xd1: {  	[hbm:s15], [sflag:s0] =	dma.local [spmem:s31], $0x2780  }
0xd2: {  	_ =	swait.ge [sflag:s18], $0x2780  }
0xd3: {  	[sflag:s18] =	ssyncset.done $0x0  }
0xd4: {  	[sflag:s18] =	ssyncadd.s32 $0xFFFFD880  }
0xd5: {  	_ =	sfence.sel $0x180000  }
0xd6: {  	[bflag:$0x0] =	sbarrier.arrive $0xFFFF  }
0xd7: {  	_ =	strace $0x90000047  }
0xd8: {  	[bflag:$0x2] =	sbarrier.arrive $0xFFFF  }
0xd9: {  	p0 =	sne.s32 s2, $0x0;
	s0 =	rddreg [dreg:$0x4]  }
0xda: {  	s0 =	sadd.s32 @!p0 $0x100000, s0  }
0xdb: {  	[sflag:s0] =	ssyncadd.tile.s32 @!p0 $0x1;
	_ =	shalt  }
.Lfunc_end2:
_tile_overlayer_lowered:
.L_overlay_start_2:
0xdc: {  	(tag) =	ssettag $0x2  }
0xdd: {  	s0 =	rddreg [dreg:$0x0];
	s2 =	stileid.u32  }
0xde: {  	s1 =	rddreg [dreg:$0x1];
	p0 =	sne.s32 s2, $0x0  }
0xdf: {  	s3 =	rddreg [dreg:$0x2];
	[bflag:$0x3] =	sbarrier.arrive $0xFFFF;
	s2 =	simm.s32 @!p0 $0x1C03  }
0xe0: {  	[timem:s3], [sflag:s2] =	dma.local @!p0 [hbm:s0], s1  }
0xe1: {  	s0 =	simm.s32 @!p0 $0x3  }
0xe2: {  	_ =	swait.ge @!p0 [sflag:s0], s1  }
0xe3: {  	s1 =	ssub.s32 @!p0 $0x0, s1;
	[sflag:s0] =	ssyncset.done @!p0 $0x0  }
0xe4: {  	[sflag:s0] =	ssyncadd.s32 @!p0 s1  }
0xe5: {  	[bflag:$0x3] =	sbarrier.arrive $0xFFFF  }
0xe6: {  	_ =	shalt  }

</sc_bundles>
